<compile_context>
chip_gen: v7x
topology: tpu7x:2x2x1
jax: 0.10.2.dev20260603
libtpu: 0.0.44.dev20260713+nightly
codegen_flags: <defaults>
</compile_context>

<pallas_src>
import jax
import jax.numpy as jnp
from jax import lax
from jax.experimental import pallas as pl
from jax.experimental.pallas import tpu as pltpu
from jax.experimental.pallas import tpu_sc as plsc

D = 64
DP = 128
CUST = 4096
R_TAB = 100000
BLK = 5000
NC, NS = 2, 16
NW = NC * NS
IDX_W = 128
ROWS_T = CUST // NS
N_CI = 2048
CI_T = N_CI // NS


def _matmul_body(ct_ref, w_ref, b_ref, t_ref):
    t_ref[...] = lax.dot_general(
        ct_ref[...], w_ref[...], (((1,), (1,)), ((), ())),
        preferred_element_type=jnp.float32,
        precision=lax.Precision.HIGHEST,
    ) + b_ref[...]


def _patch_body(reg_hbm, t_hbm, ci_hbm, b_hbm, p_hbm,
                rows_v, trows_v, ci_v, b_v, sem):
    c = lax.axis_index("c")
    s = lax.axis_index("s")

    @pl.when(c == 0)
    def _():
        r0 = s * ROWS_T
        pltpu.sync_copy(reg_hbm.at[pl.ds(r0, ROWS_T)], rows_v)
        pltpu.sync_copy(b_hbm, b_v)
        bvals = [b_v[pl.ds(16 * k, 16)] for k in range(4)]

        def addb(r, carry):
            for k in range(4):
                sl = pl.ds(16 * k, 16)
                rows_v[r, sl] = rows_v[r, sl] + bvals[k]
            return carry

        lax.fori_loop(0, ROWS_T, addb, 0)
        pltpu.sync_copy(rows_v, p_hbm.at[pl.ds(r0, ROWS_T)])
        plsc.subcore_barrier()
        pltpu.sync_copy(ci_hbm.at[pl.ds(s * CI_T, CI_T)], ci_v)
        pltpu.async_copy(t_hbm.at[ci_v], trows_v, sem).wait()
        pltpu.async_copy(trows_v, p_hbm.at[ci_v], sem).wait()


def _merge_body(reg_ref, p_ref, b_ref, out_ref):
    i = pl.program_id(0)
    out_ref[:, 0:D] = reg_ref[...] + b_ref[...]
    out_ref[:, D:DP] = jnp.zeros((BLK, DP - D), jnp.float32)

    @pl.when(i == 0)
    def _():
        out_ref[0:CUST, 0:D] = p_ref[...]


def _gather_body(tab_hbm, xt_hbm, out_hbm, idx_v,
                 rows0, rows1, trans0, trans1, gsem, wsem):
    c = lax.axis_index("c")
    s = lax.axis_index("s")
    nblk_b = xt_hbm.shape[1] // IDX_W
    per_w = nblk_b // NW
    n_l = xt_hbm.shape[0]
    wid = s * NC + c
    jota = lax.iota(jnp.int32, 16)

    def transpose(rows_v, trans_v):
        def trans(d, carry2):
            cidx = jnp.full((16,), d, jnp.int32)
            for j0 in range(0, IDX_W, 16):
                vals = plsc.load_gather(rows_v, [jota + j0, cidx])
                trans_v[d, pl.ds(j0, 16)] = vals
            return carry2

        lax.fori_loop(0, D, trans, 0)

    def drain_g():
        pltpu.make_async_copy(tab_hbm.at[pl.ds(0, IDX_W)], rows0, gsem).wait()

    def drain_w(b0):
        pltpu.make_async_copy(
            trans0, out_hbm.at[0, :, pl.ds(b0, IDX_W)], wsem).wait()

    def do_t(t, carry):
        b0 = (wid * per_w + t) * IDX_W
        pltpu.sync_copy(xt_hbm.at[:, pl.ds(b0, IDX_W)], idx_v)
        pltpu.async_copy(tab_hbm.at[idx_v.at[0]], rows0, gsem)

        def pair(i, carry2):
            l0 = 2 * i
            pltpu.async_copy(tab_hbm.at[idx_v.at[l0 + 1]], rows1, gsem)
            drain_g()

            @pl.when(i > 0)
            def _():
                drain_w(b0)
            transpose(rows0, trans0)
            pltpu.async_copy(trans0, out_hbm.at[l0, :, pl.ds(b0, IDX_W)], wsem)

            @pl.when(l0 + 2 < n_l)
            def _():
                pltpu.async_copy(tab_hbm.at[idx_v.at[l0 + 2]], rows0, gsem)
            drain_g()

            @pl.when(i > 0)
            def _():
                drain_w(b0)
            transpose(rows1, trans1)
            pltpu.async_copy(
                trans1, out_hbm.at[l0 + 1, :, pl.ds(b0, IDX_W)], wsem)
            return carry2

        lax.fori_loop(0, n_l // 2, pair, 0)
        drain_w(b0)
        drain_w(b0)
        return carry

    lax.fori_loop(0, per_w, do_t, 0)


def kernel(x, custom_indices, custom_table, regular_table, W, b):
    B, L = x.shape
    xt = jnp.transpose(x).astype(jnp.int32)
    b1 = b.astype(jnp.float32)
    b2 = b1.reshape(1, D)
    ci = custom_indices.reshape(N_CI).astype(jnp.int32)

    t_tab = pl.pallas_call(
        _matmul_body,
        out_shape=jax.ShapeDtypeStruct((CUST, D), jnp.float32),
    )(custom_table, W, b2)

    sc_mesh = plsc.VectorSubcoreMesh(core_axis_name="c", subcore_axis_name="s")

    patch = pl.kernel(
        _patch_body,
        out_type=jax.ShapeDtypeStruct((CUST, D), jnp.float32),
        mesh=sc_mesh,
        compiler_params=pltpu.CompilerParams(use_tc_tiling_on_sc=False),
        scratch_types=[
            pltpu.VMEM((ROWS_T, D), jnp.float32),
            pltpu.VMEM((CI_T, D), jnp.float32),
            pltpu.VMEM((CI_T,), jnp.int32),
            pltpu.VMEM((D,), jnp.float32),
            pltpu.SemaphoreType.DMA,
        ],
    )
    reg4k = lax.slice(regular_table, (0, 0), (CUST, D))
    p_tab = patch(reg4k, t_tab, ci, b1)

    merged = pl.pallas_call(
        _merge_body,
        grid=(R_TAB // BLK,),
        in_specs=[
            pl.BlockSpec((BLK, D), lambda i: (i, 0)),
            pl.BlockSpec((CUST, D), lambda i: (0, 0)),
            pl.BlockSpec((1, D), lambda i: (0, 0)),
        ],
        out_specs=pl.BlockSpec((BLK, DP), lambda i: (i, 0)),
        out_shape=jax.ShapeDtypeStruct((R_TAB, DP), jnp.float32),
    )(regular_table, p_tab, b2)

    gather = pl.kernel(
        _gather_body,
        out_type=jax.ShapeDtypeStruct((L, D, B), jnp.float32),
        mesh=sc_mesh,
        compiler_params=pltpu.CompilerParams(
            use_tc_tiling_on_sc=True, needs_layout_passes=False),
        scratch_types=[
            pltpu.VMEM((L, IDX_W), jnp.int32),
            pltpu.VMEM((IDX_W, DP), jnp.float32),
            pltpu.VMEM((IDX_W, DP), jnp.float32),
            pltpu.VMEM((D, IDX_W), jnp.float32),
            pltpu.VMEM((D, IDX_W), jnp.float32),
            pltpu.SemaphoreType.DMA,
            pltpu.SemaphoreType.DMA,
        ],
    )
    out3 = gather(merged, xt)
    return jnp.transpose(out3, (2, 0, 1))

# --- scband reference (transcript-rebuilt; emitter-appended) ---
"""Pipeline reference for scband-custom-embeddings-11819749998955 (READ-ONLY COPY).

The authoritative reference and input builder live on the scoring server;
editing this copy changes nothing except your own understanding.
"""

import jax, jax.numpy as jnp
import numpy as np

B, L = 16384, 50
NUM_REGULAR = 100000
CUSTOM_ROWS = 4095
CUSTOM_DIM = 64
EMBED_DIM = 64
N_CUSTOM_IDS = 2048


def setup_inputs(seed: int = 0) -> dict:
    key = jax.random.key(seed)
    k1, k2, k3, k4, k5 = jax.random.split(key, 5)
    # token indices, values in [0, NUM_REGULAR)
    x = jax.random.randint(k1, (B, L), 0, NUM_REGULAR)
    # pretrained custom embedding weights; __init__ prepends a zero padding row
    custom_w = jax.random.normal(k2, (CUSTOM_ROWS, CUSTOM_DIM), dtype=jnp.float32)
    custom_table = jnp.concatenate([jnp.zeros((1, CUSTOM_DIM), dtype=jnp.float32), custom_w], axis=0)  # [4096, 64]
    # regular embedding table, padding_idx=0 row zeroed
    regular_table = jax.random.normal(k3, (NUM_REGULAR, EMBED_DIM), dtype=jnp.float32) * 0.02
    regular_table = regular_table.at[0].set(0.0)
    # the set of indices that should use the custom (pretrained) table; < custom vocab (4096)
    custom_indices = jax.random.randint(k4, (N_CUSTOM_IDS,), 1, CUSTOM_ROWS)
    # linear transform: custom_dim -> embedding_dim
    W = jax.random.normal(k5, (EMBED_DIM, CUSTOM_DIM), dtype=jnp.float32) * (1.0 / np.sqrt(CUSTOM_DIM))
    b = jnp.zeros((EMBED_DIM,), dtype=jnp.float32)
    return {"x": x, "custom_indices": custom_indices, "custom_table": custom_table,
            "regular_table": regular_table, "W": W, "b": b}


def reference(x, custom_indices, custom_table, regular_table, W, b):
    mask = jnp.isin(x, custom_indices)
    custom_features = jnp.where(mask, x, 0)
    regular_features = jnp.where(~mask, x, 0)
    custom_embeddings = jnp.take(custom_table, custom_features, axis=0)   # [B, L, 64]
    regular_embeddings = jnp.take(regular_table, regular_features, axis=0)  # [B, L, 64]
    custom_embeddings = custom_embeddings @ W.T + b
    return custom_embeddings + regular_embeddings

if __name__ == "__main__":
    import jax
    _d = setup_inputs()
    print(jax.jit(kernel)(*tuple(_d.values())))

</pallas_src>

<mosaic_0001>
#map = affine_map<(d0, d1) -> (0, 0)>
#map1 = affine_map<(d0, d1) -> (0, 0, 0)>
module attributes {stable_mosaic.version = 14 : i64} {
  func.func @_gather_body(%arg0: i32, %arg1: i32, %arg2: memref<100000x128xf32, #tpu.memory_space<hbm>>, %arg3: memref<50x16384xi32, #tpu.memory_space<hbm>>, %arg4: memref<50x64x16384xf32, #tpu.memory_space<hbm>>, %arg5: memref<50x128xi32, #tpu.memory_space<vmem>>, %arg6: memref<128x128xf32, #tpu.memory_space<vmem>>, %arg7: memref<128x128xf32, #tpu.memory_space<vmem>>, %arg8: memref<64x128xf32, #tpu.memory_space<vmem>>, %arg9: memref<64x128xf32, #tpu.memory_space<vmem>>, %arg10: memref<!tpu.dma_semaphore, #tpu.memory_space<semaphore_mem>>, %arg11: memref<!tpu.dma_semaphore, #tpu.memory_space<semaphore_mem>>) attributes {dimension_semantics = [#tpu.dimension_semantics<core_parallel>, #tpu.dimension_semantics<subcore_parallel>], iteration_bounds = array<i64: 2, 16>, scalar_prefetch = 0 : i64, scratch_operands = 7 : i64, tpu.core_type = #tpu.core_type<sc_vector_subcore>, window_params = [{transform_indices = #map}, {transform_indices = #map}, {transform_indices = #map1}]} {
    %mul3A = arith.constant 2 : i32
    %mul3A_0 = arith.muli %arg1, %mul3A : i32
    %add3A = arith.addi %mul3A_0, %arg0 : i32
    %iota3A = tpu.iota {dimensions = array<i32: 0>} : vector<16xi32>
    %scan3A = arith.constant 0 : i32
    %scan3A_1 = arith.constant 0 : i32
    %scan3A_2 = arith.constant 4 : i32
    %scan3A_3 = arith.addi %scan3A_1, %scan3A_2 : i32
    %scan3A_4 = arith.constant 1 : i32
    scf.for %scan3A_6 = %scan3A_1 to %scan3A_3 step %scan3A_4  : i32 {
      %mul3A_7 = arith.constant 4 : i32
      %mul3A_8 = arith.muli %add3A, %mul3A_7 : i32
      %add3A_9 = arith.addi %mul3A_8, %scan3A_6 : i32
      %mul3A_10 = arith.constant 128 : i32
      %mul3A_11 = arith.muli %add3A_9, %mul3A_10 : i32
      "tpu.region"() ({
        %run_scoped3A = tpu.sem_alloc : memref<!tpu.dma_semaphore, #tpu.memory_space<semaphore_mem>>
        %dma_start3A_37 = arith.constant 0 : i32
        %dma_start3A_38 = tpu.memref_slice %arg3[%dma_start3A_37, %mul3A_11] : memref<50x16384xi32, #tpu.memory_space<hbm>> -> memref<50x128xi32, #tpu.memory_space<hbm>>
        %dma_start3A_39 = arith.constant 0 : i32
        %dma_start3A_40 = tpu.memref_slice %arg3[%dma_start3A_39, %mul3A_11] : memref<50x16384xi32, #tpu.memory_space<hbm>> -> memref<50x128xi32, #tpu.memory_space<hbm>>
        tpu.enqueue_dma source(%dma_start3A_40 : memref<50x128xi32, #tpu.memory_space<hbm>>) target(%arg5 : memref<50x128xi32, #tpu.memory_space<vmem>>) target_semaphore(%run_scoped3A : memref<!tpu.dma_semaphore, #tpu.memory_space<semaphore_mem>>)
        %dma_wait3A_41 = arith.constant 0 : i32
        %dma_wait3A_42 = tpu.memref_slice %arg3[%dma_wait3A_41, %mul3A_11] : memref<50x16384xi32, #tpu.memory_space<hbm>> -> memref<50x128xi32, #tpu.memory_space<hbm>>
        %dma_wait3A_43 = arith.constant 0 : i32
        %dma_wait3A_44 = tpu.memref_slice %arg3[%dma_wait3A_43, %mul3A_11] : memref<50x16384xi32, #tpu.memory_space<hbm>> -> memref<50x128xi32, #tpu.memory_space<hbm>>
        tpu.wait_dma2 semaphore(%run_scoped3A : memref<!tpu.dma_semaphore, #tpu.memory_space<semaphore_mem>>) src(%dma_wait3A_44 : memref<50x128xi32, #tpu.memory_space<hbm>>) dst(%arg5 : memref<50x128xi32, #tpu.memory_space<vmem>>)
        tpu.yield
      }) : () -> ()
      %dma_start3A = arith.constant 0 : i32
      %dma_start3A_12 = arith.constant 0 : i32
      %dma_start3A_13 = tpu.memref_slice %arg5[%dma_start3A, %dma_start3A_12] : memref<50x128xi32, #tpu.memory_space<vmem>> -> memref<1x128xi32, #tpu.memory_space<vmem>>
      %dma_start3A_14 = tpu.memref_squeeze %dma_start3A_13 : memref<1x128xi32, #tpu.memory_space<vmem>> -> memref<128xi32, #tpu.memory_space<vmem>>
      %dma_start3A_15 = arith.constant 0 : i32
      %dma_start3A_16 = arith.constant 0 : i32
      %dma_start3A_17 = tpu.memref_slice %arg2[%dma_start3A_15, %dma_start3A_16] : memref<100000x128xf32, #tpu.memory_space<hbm>> -> memref<100000x128xf32, #tpu.memory_space<hbm>>
      tpu.enqueue_indirect_dma source(%dma_start3A_17 : memref<100000x128xf32, #tpu.memory_space<hbm>>) target(%arg6 : memref<128x128xf32, #tpu.memory_space<vmem>>) offsets(%dma_start3A_14 : memref<128xi32, #tpu.memory_space<vmem>>) semaphore(%arg10 : memref<!tpu.dma_semaphore, #tpu.memory_space<semaphore_mem>>)
      %scan3A_18 = arith.constant 0 : i32
      %scan3A_19 = arith.constant 0 : i32
      %scan3A_20 = arith.constant 25 : i32
      %scan3A_21 = arith.addi %scan3A_19, %scan3A_20 : i32
      %scan3A_22 = arith.constant 1 : i32
      scf.for %scan3A_37 = %scan3A_19 to %scan3A_21 step %scan3A_22  : i32 {
        %mul3A_38 = arith.constant 2 : i32
        %mul3A_39 = arith.muli %mul3A_38, %scan3A_37 : i32
        %add3A_40 = arith.constant 1 : i32
        %add3A_41 = arith.addi %mul3A_39, %add3A_40 : i32
        %dma_start3A_42 = arith.constant 0 : i32
        %dma_start3A_43 = tpu.memref_slice %arg5[%add3A_41, %dma_start3A_42] : memref<50x128xi32, #tpu.memory_space<vmem>> -> memref<1x128xi32, #tpu.memory_space<vmem>>
        %dma_start3A_44 = tpu.memref_squeeze %dma_start3A_43 : memref<1x128xi32, #tpu.memory_space<vmem>> -> memref<128xi32, #tpu.memory_space<vmem>>
        %dma_start3A_45 = arith.constant 0 : i32
        %dma_start3A_46 = arith.constant 0 : i32
        %dma_start3A_47 = tpu.memref_slice %arg2[%dma_start3A_45, %dma_start3A_46] : memref<100000x128xf32, #tpu.memory_space<hbm>> -> memref<100000x128xf32, #tpu.memory_space<hbm>>
        tpu.enqueue_indirect_dma source(%dma_start3A_47 : memref<100000x128xf32, #tpu.memory_space<hbm>>) target(%arg7 : memref<128x128xf32, #tpu.memory_space<vmem>>) offsets(%dma_start3A_44 : memref<128xi32, #tpu.memory_space<vmem>>) semaphore(%arg10 : memref<!tpu.dma_semaphore, #tpu.memory_space<semaphore_mem>>)
        %dma_wait3A_48 = arith.constant 0 : i32
        %dma_wait3A_49 = arith.constant 0 : i32
        %dma_wait3A_50 = tpu.memref_slice %arg2[%dma_wait3A_48, %dma_wait3A_49] : memref<100000x128xf32, #tpu.memory_space<hbm>> -> memref<128x128xf32, #tpu.memory_space<hbm>>
        %dma_wait3A_51 = arith.constant 0 : i32
        %dma_wait3A_52 = arith.constant 0 : i32
        %dma_wait3A_53 = tpu.memref_slice %arg2[%dma_wait3A_51, %dma_wait3A_52] : memref<100000x128xf32, #tpu.memory_space<hbm>> -> memref<128x128xf32, #tpu.memory_space<hbm>>
        tpu.wait_dma2 semaphore(%arg10 : memref<!tpu.dma_semaphore, #tpu.memory_space<semaphore_mem>>) src(%dma_wait3A_53 : memref<128x128xf32, #tpu.memory_space<hbm>>) dst(%arg6 : memref<128x128xf32, #tpu.memory_space<vmem>>)
        %gt3A = arith.constant 0 : i32
        %gt3A_54 = arith.cmpi sgt, %scan3A_37, %gt3A : i32
        %convert_element_type3A = arith.extui %gt3A_54 : i1 to i32
        %cond3A = arith.constant 0 : i32
        %cond3A_55 = arith.cmpi ne, %convert_element_type3A, %cond3A : i32
        scf.if %cond3A_55 {
          %dma_wait3A_99 = arith.constant 0 : i32
          %dma_wait3A_100 = arith.constant 0 : i32
          %dma_wait3A_101 = tpu.memref_slice %arg4[%dma_wait3A_99, %dma_wait3A_100, %mul3A_11] : memref<50x64x16384xf32, #tpu.memory_space<hbm>> -> memref<1x64x128xf32, #tpu.memory_space<hbm>>
          %dma_wait3A_102 = tpu.memref_squeeze %dma_wait3A_101 : memref<1x64x128xf32, #tpu.memory_space<hbm>> -> memref<64x128xf32, #tpu.memory_space<hbm>>
          %dma_wait3A_103 = arith.constant 0 : i32
          %dma_wait3A_104 = tpu.memref_slice %arg4[%dma_wait3A_99, %dma_wait3A_103, %mul3A_11] : memref<50x64x16384xf32, #tpu.memory_space<hbm>> -> memref<1x64x128xf32, #tpu.memory_space<hbm>>
          %dma_wait3A_105 = tpu.memref_squeeze %dma_wait3A_104 : memref<1x64x128xf32, #tpu.memory_space<hbm>> -> memref<64x128xf32, #tpu.memory_space<hbm>>
          tpu.wait_dma2 semaphore(%arg11 : memref<!tpu.dma_semaphore, #tpu.memory_space<semaphore_mem>>) src(%arg8 : memref<64x128xf32, #tpu.memory_space<vmem>>) dst(%dma_wait3A_105 : memref<64x128xf32, #tpu.memory_space<hbm>>)
        } else {
        }
        %scan3A_56 = arith.constant 0 : i32
        %scan3A_57 = arith.constant 0 : i32
        %scan3A_58 = arith.constant 64 : i32
        %scan3A_59 = arith.addi %scan3A_57, %scan3A_58 : i32
        %scan3A_60 = arith.constant 1 : i32
        scf.for %scan3A_99 = %scan3A_57 to %scan3A_59 step %scan3A_60  : i32 {
          %broadcast_in_dim3A = vector.broadcast %scan3A_99 : i32 to vector<16xi32>
          %add3A_100 = arith.constant 0 : i32
          %add3A_101 = vector.broadcast %add3A_100 : i32 to vector<16xi32>
          %add3A_102 = arith.addi %iota3A, %add3A_101 : vector<16xi32>
          %gather3A = tpu.vector_load_idx %arg6[%add3A_102, %broadcast_in_dim3A] : memref<128x128xf32, #tpu.memory_space<vmem>>[vector<16xi32>, vector<16xi32>], vector<16xf32>,
          %swap3A = arith.index_cast %scan3A_99 : i32 to index
          %swap3A_103 = arith.constant 0 : index
          %swap3A_104 = tpu.vector_load %arg8[%swap3A, %swap3A_103] {strides = array<i32>} : memref<64x128xf32, #tpu.memory_space<vmem>>, vector<16xf32>,
          tpu.vector_store %arg8[%swap3A, %swap3A_103], %gather3A {strides = array<i32>} : memref<64x128xf32, #tpu.memory_space<vmem>>, vector<16xf32>,
          %add3A_105 = arith.constant 16 : i32
          %add3A_106 = vector.broadcast %add3A_105 : i32 to vector<16xi32>
          %add3A_107 = arith.addi %iota3A, %add3A_106 : vector<16xi32>
          %gather3A_108 = tpu.vector_load_idx %arg6[%add3A_107, %broadcast_in_dim3A] : memref<128x128xf32, #tpu.memory_space<vmem>>[vector<16xi32>, vector<16xi32>], vector<16xf32>,
          %swap3A_109 = arith.index_cast %scan3A_99 : i32 to index
          %swap3A_110 = arith.constant 16 : index
          %swap3A_111 = tpu.vector_load %arg8[%swap3A_109, %swap3A_110] {strides = array<i32>} : memref<64x128xf32, #tpu.memory_space<vmem>>, vector<16xf32>,
          tpu.vector_store %arg8[%swap3A_109, %swap3A_110], %gather3A_108 {strides = array<i32>} : memref<64x128xf32, #tpu.memory_space<vmem>>, vector<16xf32>,
          %add3A_112 = arith.constant 32 : i32
          %add3A_113 = vector.broadcast %add3A_112 : i32 to vector<16xi32>
          %add3A_114 = arith.addi %iota3A, %add3A_113 : vector<16xi32>
          %gather3A_115 = tpu.vector_load_idx %arg6[%add3A_114, %broadcast_in_dim3A] : memref<128x128xf32, #tpu.memory_space<vmem>>[vector<16xi32>, vector<16xi32>], vector<16xf32>,
          %swap3A_116 = arith.index_cast %scan3A_99 : i32 to index
          %swap3A_117 = arith.constant 32 : index
          %swap3A_118 = tpu.vector_load %arg8[%swap3A_116, %swap3A_117] {strides = array<i32>} : memref<64x128xf32, #tpu.memory_space<vmem>>, vector<16xf32>,
          tpu.vector_store %arg8[%swap3A_116, %swap3A_117], %gather3A_115 {strides = array<i32>} : memref<64x128xf32, #tpu.memory_space<vmem>>, vector<16xf32>,
          %add3A_119 = arith.constant 48 : i32
          %add3A_120 = vector.broadcast %add3A_119 : i32 to vector<16xi32>
          %add3A_121 = arith.addi %iota3A, %add3A_120 : vector<16xi32>
          %gather3A_122 = tpu.vector_load_idx %arg6[%add3A_121, %broadcast_in_dim3A] : memref<128x128xf32, #tpu.memory_space<vmem>>[vector<16xi32>, vector<16xi32>], vector<16xf32>,
          %swap3A_123 = arith.index_cast %scan3A_99 : i32 to index
          %swap3A_124 = arith.constant 48 : index
          %swap3A_125 = tpu.vector_load %arg8[%swap3A_123, %swap3A_124] {strides = array<i32>} : memref<64x128xf32, #tpu.memory_space<vmem>>, vector<16xf32>,
          tpu.vector_store %arg8[%swap3A_123, %swap3A_124], %gather3A_122 {strides = array<i32>} : memref<64x128xf32, #tpu.memory_space<vmem>>, vector<16xf32>,
          %add3A_126 = arith.constant 64 : i32
          %add3A_127 = vector.broadcast %add3A_126 : i32 to vector<16xi32>
          %add3A_128 = arith.addi %iota3A, %add3A_127 : vector<16xi32>
          %gather3A_129 = tpu.vector_load_idx %arg6[%add3A_128, %broadcast_in_dim3A] : memref<128x128xf32, #tpu.memory_space<vmem>>[vector<16xi32>, vector<16xi32>], vector<16xf32>,
          %swap3A_130 = arith.index_cast %scan3A_99 : i32 to index
          %swap3A_131 = arith.constant 64 : index
          %swap3A_132 = tpu.vector_load %arg8[%swap3A_130, %swap3A_131] {strides = array<i32>} : memref<64x128xf32, #tpu.memory_space<vmem>>, vector<16xf32>,
          tpu.vector_store %arg8[%swap3A_130, %swap3A_131], %gather3A_129 {strides = array<i32>} : memref<64x128xf32, #tpu.memory_space<vmem>>, vector<16xf32>,
          %add3A_133 = arith.constant 80 : i32
          %add3A_134 = vector.broadcast %add3A_133 : i32 to vector<16xi32>
          %add3A_135 = arith.addi %iota3A, %add3A_134 : vector<16xi32>
          %gather3A_136 = tpu.vector_load_idx %arg6[%add3A_135, %broadcast_in_dim3A] : memref<128x128xf32, #tpu.memory_space<vmem>>[vector<16xi32>, vector<16xi32>], vector<16xf32>,
          %swap3A_137 = arith.index_cast %scan3A_99 : i32 to index
          %swap3A_138 = arith.constant 80 : index
          %swap3A_139 = tpu.vector_load %arg8[%swap3A_137, %swap3A_138] {strides = array<i32>} : memref<64x128xf32, #tpu.memory_space<vmem>>, vector<16xf32>,
          tpu.vector_store %arg8[%swap3A_137, %swap3A_138], %gather3A_136 {strides = array<i32>} : memref<64x128xf32, #tpu.memory_space<vmem>>, vector<16xf32>,
          %add3A_140 = arith.constant 96 : i32
          %add3A_141 = vector.broadcast %add3A_140 : i32 to vector<16xi32>
          %add3A_142 = arith.addi %iota3A, %add3A_141 : vector<16xi32>
          %gather3A_143 = tpu.vector_load_idx %arg6[%add3A_142, %broadcast_in_dim3A] : memref<128x128xf32, #tpu.memory_space<vmem>>[vector<16xi32>, vector<16xi32>], vector<16xf32>,
          %swap3A_144 = arith.index_cast %scan3A_99 : i32 to index
          %swap3A_145 = arith.constant 96 : index
          %swap3A_146 = tpu.vector_load %arg8[%swap3A_144, %swap3A_145] {strides = array<i32>} : memref<64x128xf32, #tpu.memory_space<vmem>>, vector<16xf32>,
          tpu.vector_store %arg8[%swap3A_144, %swap3A_145], %gather3A_143 {strides = array<i32>} : memref<64x128xf32, #tpu.memory_space<vmem>>, vector<16xf32>,
          %add3A_147 = arith.constant 112 : i32
          %add3A_148 = vector.broadcast %add3A_147 : i32 to vector<16xi32>
          %add3A_149 = arith.addi %iota3A, %add3A_148 : vector<16xi32>
          %gather3A_150 = tpu.vector_load_idx %arg6[%add3A_149, %broadcast_in_dim3A] : memref<128x128xf32, #tpu.memory_space<vmem>>[vector<16xi32>, vector<16xi32>], vector<16xf32>,
          %swap3A_151 = arith.index_cast %scan3A_99 : i32 to index
          %swap3A_152 = arith.constant 112 : index
          %swap3A_153 = tpu.vector_load %arg8[%swap3A_151, %swap3A_152] {strides = array<i32>} : memref<64x128xf32, #tpu.memory_space<vmem>>, vector<16xf32>,
          tpu.vector_store %arg8[%swap3A_151, %swap3A_152], %gather3A_150 {strides = array<i32>} : memref<64x128xf32, #tpu.memory_space<vmem>>, vector<16xf32>,
        }
        %scan3A_61 = arith.constant 64 : i32
        %dma_start3A_62 = arith.constant 0 : i32
        %dma_start3A_63 = tpu.memref_slice %arg4[%mul3A_39, %dma_start3A_62, %mul3A_11] : memref<50x64x16384xf32, #tpu.memory_space<hbm>> -> memref<1x64x128xf32, #tpu.memory_space<hbm>>
        %dma_start3A_64 = tpu.memref_squeeze %dma_start3A_63 : memref<1x64x128xf32, #tpu.memory_space<hbm>> -> memref<64x128xf32, #tpu.memory_space<hbm>>
        %dma_start3A_65 = arith.constant 0 : i32
        %dma_start3A_66 = tpu.memref_slice %arg4[%mul3A_39, %dma_start3A_65, %mul3A_11] : memref<50x64x16384xf32, #tpu.memory_space<hbm>> -> memref<1x64x128xf32, #tpu.memory_space<hbm>>
        %dma_start3A_67 = tpu.memref_squeeze %dma_start3A_66 : memref<1x64x128xf32, #tpu.memory_space<hbm>> -> memref<64x128xf32, #tpu.memory_space<hbm>>
        tpu.enqueue_dma source(%arg8 : memref<64x128xf32, #tpu.memory_space<vmem>>) target(%dma_start3A_67 : memref<64x128xf32, #tpu.memory_space<hbm>>) target_semaphore(%arg11 : memref<!tpu.dma_semaphore, #tpu.memory_space<semaphore_mem>>)
        %add3A_68 = arith.constant 2 : i32
        %add3A_69 = arith.addi %mul3A_39, %add3A_68 : i32
        %lt3A = arith.constant 50 : i32
        %lt3A_70 = arith.cmpi slt, %add3A_69, %lt3A : i32
        %convert_element_type3A_71 = arith.extui %lt3A_70 : i1 to i32
        %cond3A_72 = arith.constant 0 : i32
        %cond3A_73 = arith.cmpi ne, %convert_element_type3A_71, %cond3A_72 : i32
        scf.if %cond3A_73 {
          %add3A_99 = arith.constant 2 : i32
          %add3A_100 = arith.addi %mul3A_39, %add3A_99 : i32
          %dma_start3A_101 = arith.constant 0 : i32
          %dma_start3A_102 = tpu.memref_slice %arg5[%add3A_100, %dma_start3A_101] : memref<50x128xi32, #tpu.memory_space<vmem>> -> memref<1x128xi32, #tpu.memory_space<vmem>>
          %dma_start3A_103 = tpu.memref_squeeze %dma_start3A_102 : memref<1x128xi32, #tpu.memory_space<vmem>> -> memref<128xi32, #tpu.memory_space<vmem>>
          %dma_start3A_104 = arith.constant 0 : i32
          %dma_start3A_105 = arith.constant 0 : i32
          %dma_start3A_106 = tpu.memref_slice %arg2[%dma_start3A_104, %dma_start3A_105] : memref<100000x128xf32, #tpu.memory_space<hbm>> -> memref<100000x128xf32, #tpu.memory_space<hbm>>
          tpu.enqueue_indirect_dma source(%dma_start3A_106 : memref<100000x128xf32, #tpu.memory_space<hbm>>) target(%arg6 : memref<128x128xf32, #tpu.memory_space<vmem>>) offsets(%dma_start3A_103 : memref<128xi32, #tpu.memory_space<vmem>>) semaphore(%arg10 : memref<!tpu.dma_semaphore, #tpu.memory_space<semaphore_mem>>)
        } else {
        }
        %dma_wait3A_74 = arith.constant 0 : i32
        %dma_wait3A_75 = arith.constant 0 : i32
        %dma_wait3A_76 = tpu.memref_slice %arg2[%dma_wait3A_74, %dma_wait3A_75] : memref<100000x128xf32, #tpu.memory_space<hbm>> -> memref<128x128xf32, #tpu.memory_space<hbm>>
        %dma_wait3A_77 = arith.constant 0 : i32
        %dma_wait3A_78 = arith.constant 0 : i32
        %dma_wait3A_79 = tpu.memref_slice %arg2[%dma_wait3A_77, %dma_wait3A_78] : memref<100000x128xf32, #tpu.memory_space<hbm>> -> memref<128x128xf32, #tpu.memory_space<hbm>>
        tpu.wait_dma2 semaphore(%arg10 : memref<!tpu.dma_semaphore, #tpu.memory_space<semaphore_mem>>) src(%dma_wait3A_79 : memref<128x128xf32, #tpu.memory_space<hbm>>) dst(%arg6 : memref<128x128xf32, #tpu.memory_space<vmem>>)
        %gt3A_80 = arith.constant 0 : i32
        %gt3A_81 = arith.cmpi sgt, %scan3A_37, %gt3A_80 : i32
        %convert_element_type3A_82 = arith.extui %gt3A_81 : i1 to i32
        %cond3A_83 = arith.constant 0 : i32
        %cond3A_84 = arith.cmpi ne, %convert_element_type3A_82, %cond3A_83 : i32
        scf.if %cond3A_84 {
          %dma_wait3A_99 = arith.constant 0 : i32
          %dma_wait3A_100 = arith.constant 0 : i32
          %dma_wait3A_101 = tpu.memref_slice %arg4[%dma_wait3A_99, %dma_wait3A_100, %mul3A_11] : memref<50x64x16384xf32, #tpu.memory_space<hbm>> -> memref<1x64x128xf32, #tpu.memory_space<hbm>>
          %dma_wait3A_102 = tpu.memref_squeeze %dma_wait3A_101 : memref<1x64x128xf32, #tpu.memory_space<hbm>> -> memref<64x128xf32, #tpu.memory_space<hbm>>
          %dma_wait3A_103 = arith.constant 0 : i32
          %dma_wait3A_104 = tpu.memref_slice %arg4[%dma_wait3A_99, %dma_wait3A_103, %mul3A_11] : memref<50x64x16384xf32, #tpu.memory_space<hbm>> -> memref<1x64x128xf32, #tpu.memory_space<hbm>>
          %dma_wait3A_105 = tpu.memref_squeeze %dma_wait3A_104 : memref<1x64x128xf32, #tpu.memory_space<hbm>> -> memref<64x128xf32, #tpu.memory_space<hbm>>
          tpu.wait_dma2 semaphore(%arg11 : memref<!tpu.dma_semaphore, #tpu.memory_space<semaphore_mem>>) src(%arg8 : memref<64x128xf32, #tpu.memory_space<vmem>>) dst(%dma_wait3A_105 : memref<64x128xf32, #tpu.memory_space<hbm>>)
        } else {
        }
        %scan3A_85 = arith.constant 0 : i32
        %scan3A_86 = arith.constant 0 : i32
        %scan3A_87 = arith.constant 64 : i32
        %scan3A_88 = arith.addi %scan3A_86, %scan3A_87 : i32
        %scan3A_89 = arith.constant 1 : i32
        scf.for %scan3A_99 = %scan3A_86 to %scan3A_88 step %scan3A_89  : i32 {
          %broadcast_in_dim3A = vector.broadcast %scan3A_99 : i32 to vector<16xi32>
          %add3A_100 = arith.constant 0 : i32
          %add3A_101 = vector.broadcast %add3A_100 : i32 to vector<16xi32>
          %add3A_102 = arith.addi %iota3A, %add3A_101 : vector<16xi32>
          %gather3A = tpu.vector_load_idx %arg7[%add3A_102, %broadcast_in_dim3A] : memref<128x128xf32, #tpu.memory_space<vmem>>[vector<16xi32>, vector<16xi32>], vector<16xf32>,
          %swap3A = arith.index_cast %scan3A_99 : i32 to index
          %swap3A_103 = arith.constant 0 : index
          %swap3A_104 = tpu.vector_load %arg9[%swap3A, %swap3A_103] {strides = array<i32>} : memref<64x128xf32, #tpu.memory_space<vmem>>, vector<16xf32>,
          tpu.vector_store %arg9[%swap3A, %swap3A_103], %gather3A {strides = array<i32>} : memref<64x128xf32, #tpu.memory_space<vmem>>, vector<16xf32>,
          %add3A_105 = arith.constant 16 : i32
          %add3A_106 = vector.broadcast %add3A_105 : i32 to vector<16xi32>
          %add3A_107 = arith.addi %iota3A, %add3A_106 : vector<16xi32>
          %gather3A_108 = tpu.vector_load_idx %arg7[%add3A_107, %broadcast_in_dim3A] : memref<128x128xf32, #tpu.memory_space<vmem>>[vector<16xi32>, vector<16xi32>], vector<16xf32>,
          %swap3A_109 = arith.index_cast %scan3A_99 : i32 to index
          %swap3A_110 = arith.constant 16 : index
          %swap3A_111 = tpu.vector_load %arg9[%swap3A_109, %swap3A_110] {strides = array<i32>} : memref<64x128xf32, #tpu.memory_space<vmem>>, vector<16xf32>,
          tpu.vector_store %arg9[%swap3A_109, %swap3A_110], %gather3A_108 {strides = array<i32>} : memref<64x128xf32, #tpu.memory_space<vmem>>, vector<16xf32>,
          %add3A_112 = arith.constant 32 : i32
          %add3A_113 = vector.broadcast %add3A_112 : i32 to vector<16xi32>
          %add3A_114 = arith.addi %iota3A, %add3A_113 : vector<16xi32>
          %gather3A_115 = tpu.vector_load_idx %arg7[%add3A_114, %broadcast_in_dim3A] : memref<128x128xf32, #tpu.memory_space<vmem>>[vector<16xi32>, vector<16xi32>], vector<16xf32>,
          %swap3A_116 = arith.index_cast %scan3A_99 : i32 to index
          %swap3A_117 = arith.constant 32 : index
          %swap3A_118 = tpu.vector_load %arg9[%swap3A_116, %swap3A_117] {strides = array<i32>} : memref<64x128xf32, #tpu.memory_space<vmem>>, vector<16xf32>,
          tpu.vector_store %arg9[%swap3A_116, %swap3A_117], %gather3A_115 {strides = array<i32>} : memref<64x128xf32, #tpu.memory_space<vmem>>, vector<16xf32>,
          %add3A_119 = arith.constant 48 : i32
          %add3A_120 = vector.broadcast %add3A_119 : i32 to vector<16xi32>
          %add3A_121 = arith.addi %iota3A, %add3A_120 : vector<16xi32>
          %gather3A_122 = tpu.vector_load_idx %arg7[%add3A_121, %broadcast_in_dim3A] : memref<128x128xf32, #tpu.memory_space<vmem>>[vector<16xi32>, vector<16xi32>], vector<16xf32>,
          %swap3A_123 = arith.index_cast %scan3A_99 : i32 to index
          %swap3A_124 = arith.constant 48 : index
          %swap3A_125 = tpu.vector_load %arg9[%swap3A_123, %swap3A_124] {strides = array<i32>} : memref<64x128xf32, #tpu.memory_space<vmem>>, vector<16xf32>,
          tpu.vector_store %arg9[%swap3A_123, %swap3A_124], %gather3A_122 {strides = array<i32>} : memref<64x128xf32, #tpu.memory_space<vmem>>, vector<16xf32>,
          %add3A_126 = arith.constant 64 : i32
          %add3A_127 = vector.broadcast %add3A_126 : i32 to vector<16xi32>
          %add3A_128 = arith.addi %iota3A, %add3A_127 : vector<16xi32>
          %gather3A_129 = tpu.vector_load_idx %arg7[%add3A_128, %broadcast_in_dim3A] : memref<128x128xf32, #tpu.memory_space<vmem>>[vector<16xi32>, vector<16xi32>], vector<16xf32>,
          %swap3A_130 = arith.index_cast %scan3A_99 : i32 to index
          %swap3A_131 = arith.constant 64 : index
          %swap3A_132 = tpu.vector_load %arg9[%swap3A_130, %swap3A_131] {strides = array<i32>} : memref<64x128xf32, #tpu.memory_space<vmem>>, vector<16xf32>,
          tpu.vector_store %arg9[%swap3A_130, %swap3A_131], %gather3A_129 {strides = array<i32>} : memref<64x128xf32, #tpu.memory_space<vmem>>, vector<16xf32>,
          %add3A_133 = arith.constant 80 : i32
          %add3A_134 = vector.broadcast %add3A_133 : i32 to vector<16xi32>
          %add3A_135 = arith.addi %iota3A, %add3A_134 : vector<16xi32>
          %gather3A_136 = tpu.vector_load_idx %arg7[%add3A_135, %broadcast_in_dim3A] : memref<128x128xf32, #tpu.memory_space<vmem>>[vector<16xi32>, vector<16xi32>], vector<16xf32>,
          %swap3A_137 = arith.index_cast %scan3A_99 : i32 to index
          %swap3A_138 = arith.constant 80 : index
          %swap3A_139 = tpu.vector_load %arg9[%swap3A_137, %swap3A_138] {strides = array<i32>} : memref<64x128xf32, #tpu.memory_space<vmem>>, vector<16xf32>,
          tpu.vector_store %arg9[%swap3A_137, %swap3A_138], %gather3A_136 {strides = array<i32>} : memref<64x128xf32, #tpu.memory_space<vmem>>, vector<16xf32>,
          %add3A_140 = arith.constant 96 : i32
          %add3A_141 = vector.broadcast %add3A_140 : i32 to vector<16xi32>
          %add3A_142 = arith.addi %iota3A, %add3A_141 : vector<16xi32>
          %gather3A_143 = tpu.vector_load_idx %arg7[%add3A_142, %broadcast_in_dim3A] : memref<128x128xf32, #tpu.memory_space<vmem>>[vector<16xi32>, vector<16xi32>], vector<16xf32>,
          %swap3A_144 = arith.index_cast %scan3A_99 : i32 to index
          %swap3A_145 = arith.constant 96 : index
          %swap3A_146 = tpu.vector_load %arg9[%swap3A_144, %swap3A_145] {strides = array<i32>} : memref<64x128xf32, #tpu.memory_space<vmem>>, vector<16xf32>,
          tpu.vector_store %arg9[%swap3A_144, %swap3A_145], %gather3A_143 {strides = array<i32>} : memref<64x128xf32, #tpu.memory_space<vmem>>, vector<16xf32>,
          %add3A_147 = arith.constant 112 : i32
          %add3A_148 = vector.broadcast %add3A_147 : i32 to vector<16xi32>
          %add3A_149 = arith.addi %iota3A, %add3A_148 : vector<16xi32>
          %gather3A_150 = tpu.vector_load_idx %arg7[%add3A_149, %broadcast_in_dim3A] : memref<128x128xf32, #tpu.memory_space<vmem>>[vector<16xi32>, vector<16xi32>], vector<16xf32>,
          %swap3A_151 = arith.index_cast %scan3A_99 : i32 to index
          %swap3A_152 = arith.constant 112 : index
          %swap3A_153 = tpu.vector_load %arg9[%swap3A_151, %swap3A_152] {strides = array<i32>} : memref<64x128xf32, #tpu.memory_space<vmem>>, vector<16xf32>,
          tpu.vector_store %arg9[%swap3A_151, %swap3A_152], %gather3A_150 {strides = array<i32>} : memref<64x128xf32, #tpu.memory_space<vmem>>, vector<16xf32>,
        }
        %scan3A_90 = arith.constant 64 : i32
        %add3A_91 = arith.constant 1 : i32
        %add3A_92 = arith.addi %mul3A_39, %add3A_91 : i32
        %dma_start3A_93 = arith.constant 0 : i32
        %dma_start3A_94 = tpu.memref_slice %arg4[%add3A_92, %dma_start3A_93, %mul3A_11] : memref<50x64x16384xf32, #tpu.memory_space<hbm>> -> memref<1x64x128xf32, #tpu.memory_space<hbm>>
        %dma_start3A_95 = tpu.memref_squeeze %dma_start3A_94 : memref<1x64x128xf32, #tpu.memory_space<hbm>> -> memref<64x128xf32, #tpu.memory_space<hbm>>
        %dma_start3A_96 = arith.constant 0 : i32
        %dma_start3A_97 = tpu.memref_slice %arg4[%add3A_92, %dma_start3A_96, %mul3A_11] : memref<50x64x16384xf32, #tpu.memory_space<hbm>> -> memref<1x64x128xf32, #tpu.memory_space<hbm>>
        %dma_start3A_98 = tpu.memref_squeeze %dma_start3A_97 : memref<1x64x128xf32, #tpu.memory_space<hbm>> -> memref<64x128xf32, #tpu.memory_space<hbm>>
        tpu.enqueue_dma source(%arg9 : memref<64x128xf32, #tpu.memory_space<vmem>>) target(%dma_start3A_98 : memref<64x128xf32, #tpu.memory_space<hbm>>) target_semaphore(%arg11 : memref<!tpu.dma_semaphore, #tpu.memory_space<semaphore_mem>>)
      }
      %scan3A_23 = arith.constant 25 : i32
      %dma_wait3A = arith.constant 0 : i32
      %dma_wait3A_24 = arith.constant 0 : i32
      %dma_wait3A_25 = tpu.memref_slice %arg4[%dma_wait3A, %dma_wait3A_24, %mul3A_11] : memref<50x64x16384xf32, #tpu.memory_space<hbm>> -> memref<1x64x128xf32, #tpu.memory_space<hbm>>
      %dma_wait3A_26 = tpu.memref_squeeze %dma_wait3A_25 : memref<1x64x128xf32, #tpu.memory_space<hbm>> -> memref<64x128xf32, #tpu.memory_space<hbm>>
      %dma_wait3A_27 = arith.constant 0 : i32
      %dma_wait3A_28 = tpu.memref_slice %arg4[%dma_wait3A, %dma_wait3A_27, %mul3A_11] : memref<50x64x16384xf32, #tpu.memory_space<hbm>> -> memref<1x64x128xf32, #tpu.memory_space<hbm>>
      %dma_wait3A_29 = tpu.memref_squeeze %dma_wait3A_28 : memref<1x64x128xf32, #tpu.memory_space<hbm>> -> memref<64x128xf32, #tpu.memory_space<hbm>>
      tpu.wait_dma2 semaphore(%arg11 : memref<!tpu.dma_semaphore, #tpu.memory_space<semaphore_mem>>) src(%arg8 : memref<64x128xf32, #tpu.memory_space<vmem>>) dst(%dma_wait3A_29 : memref<64x128xf32, #tpu.memory_space<hbm>>)
      %dma_wait3A_30 = arith.constant 0 : i32
      %dma_wait3A_31 = arith.constant 0 : i32
      %dma_wait3A_32 = tpu.memref_slice %arg4[%dma_wait3A_30, %dma_wait3A_31, %mul3A_11] : memref<50x64x16384xf32, #tpu.memory_space<hbm>> -> memref<1x64x128xf32, #tpu.memory_space<hbm>>
      %dma_wait3A_33 = tpu.memref_squeeze %dma_wait3A_32 : memref<1x64x128xf32, #tpu.memory_space<hbm>> -> memref<64x128xf32, #tpu.memory_space<hbm>>
      %dma_wait3A_34 = arith.constant 0 : i32
      %dma_wait3A_35 = tpu.memref_slice %arg4[%dma_wait3A_30, %dma_wait3A_34, %mul3A_11] : memref<50x64x16384xf32, #tpu.memory_space<hbm>> -> memref<1x64x128xf32, #tpu.memory_space<hbm>>
      %dma_wait3A_36 = tpu.memref_squeeze %dma_wait3A_35 : memref<1x64x128xf32, #tpu.memory_space<hbm>> -> memref<64x128xf32, #tpu.memory_space<hbm>>
      tpu.wait_dma2 semaphore(%arg11 : memref<!tpu.dma_semaphore, #tpu.memory_space<semaphore_mem>>) src(%arg8 : memref<64x128xf32, #tpu.memory_space<vmem>>) dst(%dma_wait3A_36 : memref<64x128xf32, #tpu.memory_space<hbm>>)
    }
    %scan3A_5 = arith.constant 4 : i32
    return
  }
}

#map = affine_map<(d0, d1) -> (0, 0)>
#map1 = affine_map<(d0, d1) -> (0)>
module attributes {stable_mosaic.version = 14 : i64} {
  func.func @_patch_body(%arg0: i32, %arg1: i32, %arg2: memref<4096x64xf32, #tpu.memory_space<hbm>>, %arg3: memref<4096x64xf32, #tpu.memory_space<hbm>>, %arg4: memref<2048xi32, #tpu.memory_space<hbm>>, %arg5: memref<64xf32, #tpu.memory_space<hbm>>, %arg6: memref<4096x64xf32, #tpu.memory_space<hbm>>, %arg7: memref<256x64xf32, #tpu.memory_space<vmem>>, %arg8: memref<128x64xf32, #tpu.memory_space<vmem>>, %arg9: memref<128xi32, #tpu.memory_space<vmem>>, %arg10: memref<64xf32, #tpu.memory_space<vmem>>, %arg11: memref<!tpu.dma_semaphore, #tpu.memory_space<semaphore_mem>>) attributes {dimension_semantics = [#tpu.dimension_semantics<core_parallel>, #tpu.dimension_semantics<subcore_parallel>], iteration_bounds = array<i64: 2, 16>, scalar_prefetch = 0 : i64, scratch_operands = 5 : i64, tpu.core_type = #tpu.core_type<sc_vector_subcore>, window_params = [{transform_indices = #map}, {transform_indices = #map}, {transform_indices = #map1}, {transform_indices = #map1}, {transform_indices = #map}]} {
    %eq3A = arith.constant 0 : i32
    %eq3A_0 = arith.cmpi eq, %arg0, %eq3A : i32
    %convert_element_type3A = arith.extui %eq3A_0 : i1 to i32
    %cond3A = arith.constant 0 : i32
    %cond3A_1 = arith.cmpi ne, %convert_element_type3A, %cond3A : i32
    scf.if %cond3A_1 {
      %mul3A = arith.constant 256 : i32
      %mul3A_2 = arith.muli %arg1, %mul3A : i32
      "tpu.region"() ({
        %run_scoped3A = tpu.sem_alloc : memref<!tpu.dma_semaphore, #tpu.memory_space<semaphore_mem>>
        %dma_start3A_31 = arith.constant 0 : i32
        %dma_start3A_32 = tpu.memref_slice %arg2[%mul3A_2, %dma_start3A_31] : memref<4096x64xf32, #tpu.memory_space<hbm>> -> memref<256x64xf32, #tpu.memory_space<hbm>>
        %dma_start3A_33 = arith.constant 0 : i32
        %dma_start3A_34 = tpu.memref_slice %arg2[%mul3A_2, %dma_start3A_33] : memref<4096x64xf32, #tpu.memory_space<hbm>> -> memref<256x64xf32, #tpu.memory_space<hbm>>
        tpu.enqueue_dma source(%dma_start3A_34 : memref<256x64xf32, #tpu.memory_space<hbm>>) target(%arg7 : memref<256x64xf32, #tpu.memory_space<vmem>>) target_semaphore(%run_scoped3A : memref<!tpu.dma_semaphore, #tpu.memory_space<semaphore_mem>>)
        %dma_wait3A_35 = arith.constant 0 : i32
        %dma_wait3A_36 = tpu.memref_slice %arg2[%mul3A_2, %dma_wait3A_35] : memref<4096x64xf32, #tpu.memory_space<hbm>> -> memref<256x64xf32, #tpu.memory_space<hbm>>
        %dma_wait3A_37 = arith.constant 0 : i32
        %dma_wait3A_38 = tpu.memref_slice %arg2[%mul3A_2, %dma_wait3A_37] : memref<4096x64xf32, #tpu.memory_space<hbm>> -> memref<256x64xf32, #tpu.memory_space<hbm>>
        tpu.wait_dma2 semaphore(%run_scoped3A : memref<!tpu.dma_semaphore, #tpu.memory_space<semaphore_mem>>) src(%dma_wait3A_38 : memref<256x64xf32, #tpu.memory_space<hbm>>) dst(%arg7 : memref<256x64xf32, #tpu.memory_space<vmem>>)
        tpu.yield
      }) : () -> ()
      "tpu.region"() ({
        %run_scoped3A = tpu.sem_alloc : memref<!tpu.dma_semaphore, #tpu.memory_space<semaphore_mem>>
        tpu.enqueue_dma source(%arg5 : memref<64xf32, #tpu.memory_space<hbm>>) target(%arg10 : memref<64xf32, #tpu.memory_space<vmem>>) target_semaphore(%run_scoped3A : memref<!tpu.dma_semaphore, #tpu.memory_space<semaphore_mem>>)
        tpu.wait_dma2 semaphore(%run_scoped3A : memref<!tpu.dma_semaphore, #tpu.memory_space<semaphore_mem>>) src(%arg5 : memref<64xf32, #tpu.memory_space<hbm>>) dst(%arg10 : memref<64xf32, #tpu.memory_space<vmem>>)
        tpu.yield
      }) : () -> ()
      %get3A = arith.constant 0 : index
      %get3A_3 = tpu.vector_load %arg10[%get3A] {strides = array<i32>} : memref<64xf32, #tpu.memory_space<vmem>>, vector<16xf32>,
      %get3A_4 = vector.shape_cast %get3A_3 : vector<16xf32> to vector<16xf32>
      %get3A_5 = arith.constant 16 : index
      %get3A_6 = tpu.vector_load %arg10[%get3A_5] {strides = array<i32>} : memref<64xf32, #tpu.memory_space<vmem>>, vector<16xf32>,
      %get3A_7 = vector.shape_cast %get3A_6 : vector<16xf32> to vector<16xf32>
      %get3A_8 = arith.constant 32 : index
      %get3A_9 = tpu.vector_load %arg10[%get3A_8] {strides = array<i32>} : memref<64xf32, #tpu.memory_space<vmem>>, vector<16xf32>,
      %get3A_10 = vector.shape_cast %get3A_9 : vector<16xf32> to vector<16xf32>
      %get3A_11 = arith.constant 48 : index
      %get3A_12 = tpu.vector_load %arg10[%get3A_11] {strides = array<i32>} : memref<64xf32, #tpu.memory_space<vmem>>, vector<16xf32>,
      %get3A_13 = vector.shape_cast %get3A_12 : vector<16xf32> to vector<16xf32>
      %scan3A = arith.constant 0 : i32
      %scan3A_14 = arith.constant 0 : i32
      %scan3A_15 = arith.constant 256 : i32
      %scan3A_16 = arith.addi %scan3A_14, %scan3A_15 : i32
      %scan3A_17 = arith.constant 1 : i32
      scf.for %scan3A_31 = %scan3A_14 to %scan3A_16 step %scan3A_17  : i32 {
        %get3A_32 = arith.index_cast %scan3A_31 : i32 to index
        %get3A_33 = arith.constant 0 : index
        %get3A_34 = tpu.vector_load %arg7[%get3A_32, %get3A_33] {strides = array<i32>} : memref<256x64xf32, #tpu.memory_space<vmem>>, vector<1x16xf32>,
        %get3A_35 = vector.shape_cast %get3A_34 : vector<1x16xf32> to vector<16xf32>
        %add3A = arith.addf %get3A_35, %get3A_4 : vector<16xf32>
        %swap3A = arith.index_cast %scan3A_31 : i32 to index
        %swap3A_36 = arith.constant 0 : index
        %swap3A_37 = tpu.vector_load %arg7[%swap3A, %swap3A_36] {strides = array<i32>} : memref<256x64xf32, #tpu.memory_space<vmem>>, vector<1x16xf32>,
        %swap3A_38 = vector.shape_cast %swap3A_37 : vector<1x16xf32> to vector<16xf32>
        %swap3A_39 = vector.shape_cast %add3A : vector<16xf32> to vector<1x16xf32>
        tpu.vector_store %arg7[%swap3A, %swap3A_36], %swap3A_39 {strides = array<i32>} : memref<256x64xf32, #tpu.memory_space<vmem>>, vector<1x16xf32>,
        %get3A_40 = arith.index_cast %scan3A_31 : i32 to index
        %get3A_41 = arith.constant 16 : index
        %get3A_42 = tpu.vector_load %arg7[%get3A_40, %get3A_41] {strides = array<i32>} : memref<256x64xf32, #tpu.memory_space<vmem>>, vector<1x16xf32>,
        %get3A_43 = vector.shape_cast %get3A_42 : vector<1x16xf32> to vector<16xf32>
        %add3A_44 = arith.addf %get3A_43, %get3A_7 : vector<16xf32>
        %swap3A_45 = arith.index_cast %scan3A_31 : i32 to index
        %swap3A_46 = arith.constant 16 : index
        %swap3A_47 = tpu.vector_load %arg7[%swap3A_45, %swap3A_46] {strides = array<i32>} : memref<256x64xf32, #tpu.memory_space<vmem>>, vector<1x16xf32>,
        %swap3A_48 = vector.shape_cast %swap3A_47 : vector<1x16xf32> to vector<16xf32>
        %swap3A_49 = vector.shape_cast %add3A_44 : vector<16xf32> to vector<1x16xf32>
        tpu.vector_store %arg7[%swap3A_45, %swap3A_46], %swap3A_49 {strides = array<i32>} : memref<256x64xf32, #tpu.memory_space<vmem>>, vector<1x16xf32>,
        %get3A_50 = arith.index_cast %scan3A_31 : i32 to index
        %get3A_51 = arith.constant 32 : index
        %get3A_52 = tpu.vector_load %arg7[%get3A_50, %get3A_51] {strides = array<i32>} : memref<256x64xf32, #tpu.memory_space<vmem>>, vector<1x16xf32>,
        %get3A_53 = vector.shape_cast %get3A_52 : vector<1x16xf32> to vector<16xf32>
        %add3A_54 = arith.addf %get3A_53, %get3A_10 : vector<16xf32>
        %swap3A_55 = arith.index_cast %scan3A_31 : i32 to index
        %swap3A_56 = arith.constant 32 : index
        %swap3A_57 = tpu.vector_load %arg7[%swap3A_55, %swap3A_56] {strides = array<i32>} : memref<256x64xf32, #tpu.memory_space<vmem>>, vector<1x16xf32>,
        %swap3A_58 = vector.shape_cast %swap3A_57 : vector<1x16xf32> to vector<16xf32>
        %swap3A_59 = vector.shape_cast %add3A_54 : vector<16xf32> to vector<1x16xf32>
        tpu.vector_store %arg7[%swap3A_55, %swap3A_56], %swap3A_59 {strides = array<i32>} : memref<256x64xf32, #tpu.memory_space<vmem>>, vector<1x16xf32>,
        %get3A_60 = arith.index_cast %scan3A_31 : i32 to index
        %get3A_61 = arith.constant 48 : index
        %get3A_62 = tpu.vector_load %arg7[%get3A_60, %get3A_61] {strides = array<i32>} : memref<256x64xf32, #tpu.memory_space<vmem>>, vector<1x16xf32>,
        %get3A_63 = vector.shape_cast %get3A_62 : vector<1x16xf32> to vector<16xf32>
        %add3A_64 = arith.addf %get3A_63, %get3A_13 : vector<16xf32>
        %swap3A_65 = arith.index_cast %scan3A_31 : i32 to index
        %swap3A_66 = arith.constant 48 : index
        %swap3A_67 = tpu.vector_load %arg7[%swap3A_65, %swap3A_66] {strides = array<i32>} : memref<256x64xf32, #tpu.memory_space<vmem>>, vector<1x16xf32>,
        %swap3A_68 = vector.shape_cast %swap3A_67 : vector<1x16xf32> to vector<16xf32>
        %swap3A_69 = vector.shape_cast %add3A_64 : vector<16xf32> to vector<1x16xf32>
        tpu.vector_store %arg7[%swap3A_65, %swap3A_66], %swap3A_69 {strides = array<i32>} : memref<256x64xf32, #tpu.memory_space<vmem>>, vector<1x16xf32>,
      }
      %scan3A_18 = arith.constant 256 : i32
      "tpu.region"() ({
        %run_scoped3A = tpu.sem_alloc : memref<!tpu.dma_semaphore, #tpu.memory_space<semaphore_mem>>
        %dma_start3A_31 = arith.constant 0 : i32
        %dma_start3A_32 = tpu.memref_slice %arg6[%mul3A_2, %dma_start3A_31] : memref<4096x64xf32, #tpu.memory_space<hbm>> -> memref<256x64xf32, #tpu.memory_space<hbm>>
        %dma_start3A_33 = arith.constant 0 : i32
        %dma_start3A_34 = tpu.memref_slice %arg6[%mul3A_2, %dma_start3A_33] : memref<4096x64xf32, #tpu.memory_space<hbm>> -> memref<256x64xf32, #tpu.memory_space<hbm>>
        tpu.enqueue_dma source(%arg7 : memref<256x64xf32, #tpu.memory_space<vmem>>) target(%dma_start3A_34 : memref<256x64xf32, #tpu.memory_space<hbm>>) target_semaphore(%run_scoped3A : memref<!tpu.dma_semaphore, #tpu.memory_space<semaphore_mem>>)
        %dma_wait3A_35 = arith.constant 0 : i32
        %dma_wait3A_36 = tpu.memref_slice %arg6[%mul3A_2, %dma_wait3A_35] : memref<4096x64xf32, #tpu.memory_space<hbm>> -> memref<256x64xf32, #tpu.memory_space<hbm>>
        %dma_wait3A_37 = arith.constant 0 : i32
        %dma_wait3A_38 = tpu.memref_slice %arg6[%mul3A_2, %dma_wait3A_37] : memref<4096x64xf32, #tpu.memory_space<hbm>> -> memref<256x64xf32, #tpu.memory_space<hbm>>
        tpu.wait_dma2 semaphore(%run_scoped3A : memref<!tpu.dma_semaphore, #tpu.memory_space<semaphore_mem>>) src(%arg7 : memref<256x64xf32, #tpu.memory_space<vmem>>) dst(%dma_wait3A_38 : memref<256x64xf32, #tpu.memory_space<hbm>>)
        tpu.yield
      }) : () -> ()
      %barrier3A = arith.constant 0 : index
      tpu.barrier barrier_id(%barrier3A)
      %mul3A_19 = arith.constant 128 : i32
      %mul3A_20 = arith.muli %arg1, %mul3A_19 : i32
      "tpu.region"() ({
        %run_scoped3A = tpu.sem_alloc : memref<!tpu.dma_semaphore, #tpu.memory_space<semaphore_mem>>
        %dma_start3A_31 = tpu.memref_slice %arg4[%mul3A_20] : memref<2048xi32, #tpu.memory_space<hbm>> -> memref<128xi32, #tpu.memory_space<hbm>>
        %dma_start3A_32 = tpu.memref_slice %arg4[%mul3A_20] : memref<2048xi32, #tpu.memory_space<hbm>> -> memref<128xi32, #tpu.memory_space<hbm>>
        tpu.enqueue_dma source(%dma_start3A_32 : memref<128xi32, #tpu.memory_space<hbm>>) target(%arg9 : memref<128xi32, #tpu.memory_space<vmem>>) target_semaphore(%run_scoped3A : memref<!tpu.dma_semaphore, #tpu.memory_space<semaphore_mem>>)
        %dma_wait3A_33 = tpu.memref_slice %arg4[%mul3A_20] : memref<2048xi32, #tpu.memory_space<hbm>> -> memref<128xi32, #tpu.memory_space<hbm>>
        %dma_wait3A_34 = tpu.memref_slice %arg4[%mul3A_20] : memref<2048xi32, #tpu.memory_space<hbm>> -> memref<128xi32, #tpu.memory_space<hbm>>
        tpu.wait_dma2 semaphore(%run_scoped3A : memref<!tpu.dma_semaphore, #tpu.memory_space<semaphore_mem>>) src(%dma_wait3A_34 : memref<128xi32, #tpu.memory_space<hbm>>) dst(%arg9 : memref<128xi32, #tpu.memory_space<vmem>>)
        tpu.yield
      }) : () -> ()
      %dma_start3A = arith.constant 0 : i32
      %dma_start3A_21 = arith.constant 0 : i32
      %dma_start3A_22 = tpu.memref_slice %arg3[%dma_start3A, %dma_start3A_21] : memref<4096x64xf32, #tpu.memory_space<hbm>> -> memref<4096x64xf32, #tpu.memory_space<hbm>>
      tpu.enqueue_indirect_dma source(%dma_start3A_22 : memref<4096x64xf32, #tpu.memory_space<hbm>>) target(%arg8 : memref<128x64xf32, #tpu.memory_space<vmem>>) offsets(%arg9 : memref<128xi32, #tpu.memory_space<vmem>>) semaphore(%arg11 : memref<!tpu.dma_semaphore, #tpu.memory_space<semaphore_mem>>)
      %dma_wait3A = arith.constant 0 : i32
      %dma_wait3A_23 = arith.constant 0 : i32
      %dma_wait3A_24 = tpu.memref_slice %arg3[%dma_wait3A, %dma_wait3A_23] : memref<4096x64xf32, #tpu.memory_space<hbm>> -> memref<4096x64xf32, #tpu.memory_space<hbm>>
      tpu.wait_indirect_dma semaphore(%arg11 : memref<!tpu.dma_semaphore, #tpu.memory_space<semaphore_mem>>) src(%dma_wait3A_24 : memref<4096x64xf32, #tpu.memory_space<hbm>>) dst(%arg8 : memref<128x64xf32, #tpu.memory_space<vmem>>)
      %dma_start3A_25 = arith.constant 0 : i32
      %dma_start3A_26 = arith.constant 0 : i32
      %dma_start3A_27 = tpu.memref_slice %arg6[%dma_start3A_25, %dma_start3A_26] : memref<4096x64xf32, #tpu.memory_space<hbm>> -> memref<4096x64xf32, #tpu.memory_space<hbm>>
      tpu.enqueue_indirect_dma source(%arg8 : memref<128x64xf32, #tpu.memory_space<vmem>>) target(%dma_start3A_27 : memref<4096x64xf32, #tpu.memory_space<hbm>>) offsets(%arg9 : memref<128xi32, #tpu.memory_space<vmem>>) semaphore(%arg11 : memref<!tpu.dma_semaphore, #tpu.memory_space<semaphore_mem>>)
      %dma_wait3A_28 = arith.constant 0 : i32
      %dma_wait3A_29 = arith.constant 0 : i32
      %dma_wait3A_30 = tpu.memref_slice %arg6[%dma_wait3A_28, %dma_wait3A_29] : memref<4096x64xf32, #tpu.memory_space<hbm>> -> memref<4096x64xf32, #tpu.memory_space<hbm>>
      tpu.wait_indirect_dma semaphore(%arg11 : memref<!tpu.dma_semaphore, #tpu.memory_space<semaphore_mem>>) src(%arg8 : memref<128x64xf32, #tpu.memory_space<vmem>>) dst(%dma_wait3A_30 : memref<4096x64xf32, #tpu.memory_space<hbm>>)
    } else {
    }
    return
  }
}

module attributes {stable_mosaic.version = 14 : i64} {
  func.func @_matmul_body(%arg0: memref<4096x64xf32, #tpu.memory_space<vmem>>, %arg1: memref<64x64xf32, #tpu.memory_space<vmem>>, %arg2: memref<1x64xf32, #tpu.memory_space<vmem>>, %arg3: memref<4096x64xf32, #tpu.memory_space<vmem>>) attributes {dimension_semantics = [], scalar_prefetch = 0 : i64, scratch_operands = 0 : i64, tpu.core_type = #tpu.core_type<tc>} {
    %get3A = arith.constant 0 : index
    %get3A_0 = arith.constant 0 : index
    %get3A_1 = vector.load %arg0[%get3A, %get3A_0] : memref<4096x64xf32, #tpu.memory_space<vmem>>, vector<4096x64xf32>
    %get3A_2 = arith.constant 0 : index
    %get3A_3 = arith.constant 0 : index
    %get3A_4 = vector.load %arg1[%get3A_2, %get3A_3] : memref<64x64xf32, #tpu.memory_space<vmem>>, vector<64x64xf32>
    %dot_general3A = arith.constant dense<0.000000e+00> : vector<4096x64xf32>
    %dot_general3A_5 = tpu.matmul %get3A_1, %get3A_4, %dot_general3A {dimension_numbers = #tpu.dot_dimension_numbers<[1], [1], [0], [0], [0, 0, 1, 0], [], []>, precision = #tpu.contract_precision<fp32>, transpose_lhs_hint = false} : vector<4096x64xf32>, vector<64x64xf32>, vector<4096x64xf32> -> vector<4096x64xf32>
    %get3A_6 = arith.constant 0 : index
    %get3A_7 = arith.constant 0 : index
    %get3A_8 = vector.load %arg2[%get3A_6, %get3A_7] : memref<1x64xf32, #tpu.memory_space<vmem>>, vector<1x64xf32>
    %add3A = vector.broadcast %get3A_8 : vector<1x64xf32> to vector<4096x64xf32>
    %add3A_9 = arith.addf %dot_general3A_5, %add3A : vector<4096x64xf32>
    %swap3A = arith.constant 0 : index
    %swap3A_10 = arith.constant 0 : index
    %swap3A_11 = vector.load %arg3[%swap3A, %swap3A_10] : memref<4096x64xf32, #tpu.memory_space<vmem>>, vector<4096x64xf32>
    tpu.vector_store %arg3[%swap3A, %swap3A_10], %add3A_9 {strides = array<i32>} : memref<4096x64xf32, #tpu.memory_space<vmem>>, vector<4096x64xf32>,
    return
  }
}

module attributes {stable_mosaic.version = 14 : i64} {
  func.func @_merge_body(%arg0: i32, %arg1: memref<5000x64xf32, #tpu.memory_space<vmem>>, %arg2: memref<4096x64xf32, #tpu.memory_space<vmem>>, %arg3: memref<1x64xf32, #tpu.memory_space<vmem>>, %arg4: memref<5000x128xf32, #tpu.memory_space<vmem>>) attributes {dimension_semantics = [#tpu.dimension_semantics<arbitrary>], iteration_bounds = array<i64: 20>, scalar_prefetch = 0 : i64, scratch_operands = 0 : i64, tpu.core_type = #tpu.core_type<tc>, window_params = [{transform_indices = @transform_0, window_bounds = array<i64: 5000, 64>}, {pipeline_mode = #tpu.pipeline_mode<synchronous>, transform_indices = @transform_1, window_bounds = array<i64: 4096, 64>}, {pipeline_mode = #tpu.pipeline_mode<synchronous>, transform_indices = @transform_2, window_bounds = array<i64: 1, 64>}, {transform_indices = @transform_3, window_bounds = array<i64: 5000, 128>}]} {
    %get3A = arith.constant 0 : index
    %get3A_0 = arith.constant 0 : index
    %get3A_1 = vector.load %arg1[%get3A, %get3A_0] : memref<5000x64xf32, #tpu.memory_space<vmem>>, vector<5000x64xf32>
    %get3A_2 = arith.constant 0 : index
    %get3A_3 = arith.constant 0 : index
    %get3A_4 = vector.load %arg3[%get3A_2, %get3A_3] : memref<1x64xf32, #tpu.memory_space<vmem>>, vector<1x64xf32>
    %add3A = vector.broadcast %get3A_4 : vector<1x64xf32> to vector<5000x64xf32>
    %add3A_5 = arith.addf %get3A_1, %add3A : vector<5000x64xf32>
    %swap3A = arith.constant 0 : index
    %swap3A_6 = arith.constant 0 : index
    %swap3A_7 = vector.load %arg4[%swap3A, %swap3A_6] : memref<5000x128xf32, #tpu.memory_space<vmem>>, vector<5000x64xf32>
    tpu.vector_store %arg4[%swap3A, %swap3A_6], %add3A_5 {strides = array<i32>} : memref<5000x128xf32, #tpu.memory_space<vmem>>, vector<5000x64xf32>,
    %broadcast_in_dim3A = arith.constant 0.000000e+00 : f32
    %broadcast_in_dim3A_8 = vector.broadcast %broadcast_in_dim3A : f32 to vector<5000x64xf32>
    %swap3A_9 = arith.constant 0 : index
    %swap3A_10 = arith.constant 64 : index
    %swap3A_11 = vector.load %arg4[%swap3A_9, %swap3A_10] : memref<5000x128xf32, #tpu.memory_space<vmem>>, vector<5000x64xf32>
    tpu.vector_store %arg4[%swap3A_9, %swap3A_10], %broadcast_in_dim3A_8 {strides = array<i32>} : memref<5000x128xf32, #tpu.memory_space<vmem>>, vector<5000x64xf32>,
    %eq3A = arith.constant 0 : i32
    %eq3A_12 = arith.cmpi eq, %arg0, %eq3A : i32
    %convert_element_type3A = arith.extui %eq3A_12 : i1 to i32
    %cond3A = arith.constant 0 : i32
    %cond3A_13 = arith.cmpi ne, %convert_element_type3A, %cond3A : i32
    scf.if %cond3A_13 {
      %get3A_14 = arith.constant 0 : index
      %get3A_15 = arith.constant 0 : index
      %get3A_16 = vector.load %arg2[%get3A_14, %get3A_15] : memref<4096x64xf32, #tpu.memory_space<vmem>>, vector<4096x64xf32>
      %swap3A_17 = arith.constant 0 : index
      %swap3A_18 = arith.constant 0 : index
      %swap3A_19 = vector.load %arg4[%swap3A_17, %swap3A_18] : memref<5000x128xf32, #tpu.memory_space<vmem>>, vector<4096x64xf32>
      tpu.vector_store %arg4[%swap3A_17, %swap3A_18], %get3A_16 {strides = array<i32>} : memref<5000x128xf32, #tpu.memory_space<vmem>>, vector<4096x64xf32>,
    } else {
    }
    return
  }
  func.func @transform_0(%arg0: i32) -> (i32, i32) {
    %c0_i32 = arith.constant 0 : i32
    %c0_i32_0 = arith.constant 0 : i32
    return %arg0, %c0_i32 : i32, i32
  }
  func.func @transform_1(%arg0: i32) -> (i32, i32) {
    %c0_i32 = arith.constant 0 : i32
    %c0_i32_0 = arith.constant 0 : i32
    %c0_i32_1 = arith.constant 0 : i32
    return %c0_i32, %c0_i32_0 : i32, i32
  }
  func.func @transform_2(%arg0: i32) -> (i32, i32) {
    %c0_i32 = arith.constant 0 : i32
    %c0_i32_0 = arith.constant 0 : i32
    %c0_i32_1 = arith.constant 0 : i32
    return %c0_i32, %c0_i32_0 : i32, i32
  }
  func.func @transform_3(%arg0: i32) -> (i32, i32) {
    %c0_i32 = arith.constant 0 : i32
    %c0_i32_0 = arith.constant 0 : i32
    return %arg0, %c0_i32 : i32, i32
  }
}

</mosaic_0001>

<sc_bundles>
// kernel: kernel.6.cloned.1.call-start
scs
__scs_entry_jumppad:
0x0: {  	(pc) =	sbr.rel $0x88, $3  }
0x1: {  	(tag) =	ssettag $0x0;
	lr =	simm.s32 $0x1  }
0x2: {  	[smem:$0x3F9B] =	sst lr;
	_ =	strace $0xD0000000  }
0x3: {  	_ = 	snop  }
0x4: {  	_ = 	snop  }
0x5: {  	_ = 	snop  }
0x6: {  	_ = 	snop  }
0x7: {  	_ = 	snop  }
__scs_overlays_trampoline_lowered:
0x8: {  	[smem:$0x3FAA] =	sst s0  }
0x9: {  	[smem:$0x3FAB] =	sst s1  }
0xa: {  	[smem:$0x3FAC] =	sst s2  }
0xb: {  	[smem:$0x3FAD] =	sst s3  }
0xc: {  	[smem:$0x3FAE] =	sst s4  }
0xd: {  	[smem:$0x3FAF] =	sst s5  }
0xe: {  	[smem:$0x3FB0] =	sst s6  }
0xf: {  	[smem:$0x3FB1] =	sst s7  }
0x10: {  	[smem:$0x3FB2] =	sst s8  }
0x11: {  	[smem:$0x3FB3] =	sst s9;
	s0 =	simm.s32 @!p0 $0x0  }
0x12: {  	s1 =	sld [smem:$0x3F99];
	s0 =	simm.s32 @p0 $0x1  }
0x13: {  	[smem:$0x3FB4] =	sst s0;
	s0 =	simm.s32 @!p1 $0x0  }
0x14: {  	s2 =	sld [smem:$0x3F98];
	s0 =	simm.s32 @p1 $0x1  }
0x15: {  	[smem:$0x3FB5] =	sst s0;
	s0 =	simm.s32 @!p2 $0x0  }
0x16: {  	s3 =	sld [smem:$0x3FDB];
	s0 =	simm.s32 @p2 $0x1  }
0x17: {  	s4 =	simm.s32 $0x1BF5;
	[smem:$0x3FB7] =	sst s0  }
0x18: {  	s0 =	sld [smem:$0x3F9A];
	_ =	swait.ge [sflag:s4], $0x0  }
0x19: {  	s7 =	sld [smem:$0x3F9B]  }
0x1a: {  	s8 =	sadd.s32 $0xFFFFE003, lr  }
0x1b: {  	s9 =	sadd.s32 $0xFFFFFEF7, lr;
	s5 =	simm.s32 $0xFFFFFFFF;
	p2 =	slt.u32 s8, $0xFFFFF086  }
0x1c: {  	p1 =	slt.u32 s9, $0xF7A;
	s5 =	simm.s32 @!p2 $0x0  }
0x1d: {  	s5 =	simm.s32 @p1 $0x1;
	p0 =	seq.s32 s7, s2  }
0x1e: {  	s7 =	smul.u32 @!p0 $0xF7A, s2;
	p2 =	seq.s32 @!p0 s5, $0x0  }
0x1f: {  	s9 =	smul.u32 $0xF7A, s1;
	s8 =	simm.s32 @!p0 $0x1BF5;
	p2 =	por !p2, p0  }
0x20: {  	[sflag:s8] =	ssyncset.s32 @!p0 $0xFFFFF086;
	s6 =	sadd.s32 @!p0 s3, s7;
	s7 =	simm.s32 @!p0 $0x108  }
0x21: {  	s3 =	sadd.s32 s3, s9;
	s6 =	sadd.s32 @!p0 $0x88, s6;
	s7 =	simm.s32 @p2 $0x1082  }
0x22: {  	[simem:s7], [sflag:s8] =	dma.local @!p0 [hbm:s6], $0xF7A  }
0x23: {  	s9 =	sor.u32 $0xD0000000, s2;
	s6 =	simm.s32 $0x108;
	_ =	swait.ge @!p0 [sflag:s8], $0x0  }
0x24: {  	s3 =	sadd.s32 $0x88, s3;
	s6 =	simm.s32 @!p1 $0x1082;
	[sflag:s4] =	ssyncset.s32 $0xFFFFF086  }
0x25: {  	[simem:s6], [sflag:s4] =	dma.local [hbm:s3], $0xF7A  }
0x26: {  	[smem:$0x3F9B] =	sst s1;
	(tag) =	ssettag s2;
	_ =	strace s9  }
0x27: {  	s1 =	sld [smem:$0x3FAB]  }
0x28: {  	s2 =	sld [smem:$0x3FAC]  }
0x29: {  	s4 =	sld [smem:$0x3FAE]  }
0x2a: {  	p0 =	seq.s32 s5, $0x0;
	s5 =	sld [smem:$0x3FAF]  }
0x2b: {  	s6 =	sld [smem:$0x3FB0]  }
0x2c: {  	s7 =	sld [smem:$0x3FB1]  }
0x2d: {  	s3 =	simm.s32 $0x108;
	s8 =	sld [smem:$0x3FB2]  }
0x2e: {  	s3 =	simm.s32 @!p0 $0x1082;
	s9 =	sld [smem:$0x3FB3]  }
0x2f: {  	lr =	sadd.s32 s0, s3;
	s0 =	sld [smem:$0x3FAA]  }
0x30: {  	s3 =	sld [smem:$0x3FAD]  }
0x31: {  	[smem:$0x3FB6] =	sst s10  }
0x32: {  	s10 =	sld [smem:$0x3FB4];
	_ =	sdelay $0x3  }
0x33: {  	p0 =	seq.s32 s10, $0x1;
	s10 =	sld [smem:$0x3FB6];
	_ =	sdelay $0x3  }
0x34: {  	[smem:$0x3FB6] =	sst s10  }
0x35: {  	s10 =	sld [smem:$0x3FB5];
	_ =	sdelay $0x3  }
0x36: {  	p1 =	seq.s32 s10, $0x1;
	s10 =	sld [smem:$0x3FB6];
	_ =	sdelay $0x3  }
0x37: {  	[smem:$0x3FB6] =	sst s10  }
0x38: {  	s10 =	sld [smem:$0x3FB7]  }
0x39: {  	_ = 	snop;
	(pc) =	sbr.ind lr, $3  }
0x3a: {  	_ = 	snop  }
0x3b: {  	_ = 	snop  }
0x3c: {  	p2 =	seq.s32 s10, $0x1;
	s10 =	sld [smem:$0x3FB6]  }
0x3d: {  	_ =	shalt  }
0x3e: {  	_ =	shalt  }
0x3f: {  	_ =	shalt  }
0x40: {  	_ =	shalt  }
0x41: {  	_ =	shalt  }
0x42: {  	_ =	shalt  }
0x43: {  	_ =	shalt  }
0x44: {  	_ =	shalt  }
0x45: {  	_ =	shalt  }
0x46: {  	_ =	shalt  }
0x47: {  	_ =	shalt  }
0x48: {  	_ =	shalt  }
0x49: {  	_ =	shalt  }
0x4a: {  	_ =	shalt  }
0x4b: {  	_ =	shalt  }
0x4c: {  	_ =	shalt  }
0x4d: {  	_ =	shalt  }
0x4e: {  	_ =	shalt  }
0x4f: {  	_ =	shalt  }
0x50: {  	_ =	shalt  }
0x51: {  	_ =	shalt  }
0x52: {  	_ =	shalt  }
0x53: {  	_ =	shalt  }
0x54: {  	_ =	shalt  }
0x55: {  	_ =	shalt  }
0x56: {  	_ =	shalt  }
0x57: {  	_ =	shalt  }
0x58: {  	_ =	shalt  }
0x59: {  	_ =	shalt  }
0x5a: {  	_ =	shalt  }
0x5b: {  	_ =	shalt  }
0x5c: {  	_ =	shalt  }
0x5d: {  	_ =	shalt  }
0x5e: {  	_ =	shalt  }
0x5f: {  	_ =	shalt  }
0x60: {  	_ =	shalt  }
0x61: {  	_ =	shalt  }
0x62: {  	_ =	shalt  }
0x63: {  	_ =	shalt  }
0x64: {  	_ =	shalt  }
0x65: {  	_ =	shalt  }
0x66: {  	_ =	shalt  }
0x67: {  	_ =	shalt  }
0x68: {  	_ =	shalt  }
0x69: {  	_ =	shalt  }
0x6a: {  	_ =	shalt  }
0x6b: {  	_ =	shalt  }
0x6c: {  	_ =	shalt  }
0x6d: {  	_ =	shalt  }
0x6e: {  	_ =	shalt  }
0x6f: {  	_ =	shalt  }
0x70: {  	_ =	shalt  }
0x71: {  	_ =	shalt  }
0x72: {  	_ =	shalt  }
0x73: {  	_ =	shalt  }
0x74: {  	_ =	shalt  }
0x75: {  	_ =	shalt  }
0x76: {  	_ =	shalt  }
0x77: {  	_ =	shalt  }
0x78: {  	_ =	shalt  }
0x79: {  	_ =	shalt  }
0x7a: {  	_ =	shalt  }
0x7b: {  	_ =	shalt  }
0x7c: {  	_ =	shalt  }
0x7d: {  	_ =	shalt  }
0x7e: {  	_ =	shalt  }
0x7f: {  	_ =	shalt  }
0x80: {  	_ =	shalt  }
0x81: {  	_ =	shalt  }
0x82: {  	_ =	shalt  }
0x83: {  	_ =	shalt  }
0x84: {  	_ =	shalt  }
0x85: {  	_ =	shalt  }
0x86: {  	_ =	shalt  }
0x87: {  	_ =	shalt  }
.Lfunc_end0:
.L_simem_size_0:
called_computation_lowered:
.L_overlay_start_0:
0x88: {  	s2 =	sld [smem:$0x3FD9]  }
0x89: {  	s3 =	sld [smem:$0x3FFE];
	_ =	sdelay $0x1  }
0x8a: {  	s1 =	srdreg.scid  }
0x8b: {  	s0 =	sand.u32 $0x1, s1  }
0x8c: {  	s17 =	sshll.u32 s0, $0xA;
	s2 =	sadd.s32 s3, s2  }
0x8d: {  	s2 =	sadd.s32 s2, s17  }
0x8e: {  	[smem:$0x3FC2] =	sst s2  }
0x8f: {  	_ = 	snop  }
0x90: {  	s2 =	sld [smem:$0x3FC8]  }
0x91: {  	s18 =	sld [smem:$0x3FC4];
	(tm) =	ssettm $0x1  }
0x92: {  	s4 =	sld [smem:$0x3FFB];
	_ =	sdelay $0x3  }
0x93: {  	_ =	strace s4  }
0x94: {  	s4 =	sld [smem:$0x3FFC];
	_ =	sdelay $0x3  }
0x95: {  	_ =	strace s4  }
0x96: {  	s4 =	sld [smem:$0x3FFD];
	_ =	sdelay $0x3  }
0x97: {  	_ =	strace s4  }
0x98: {  	_ =	strace $0x8FFFFFFF  }
0x99: {  	s19 =	sld [smem:$0x3FDB];
	_ =	sdelay $0x1  }
0x9a: {  	s5 =	simm.s32 $_scs_section_size  }
0x9b: {  	s6 =	simm.s32 $_size__tile_overlayer_lowered;
	s7 =	simm.s32 $_tile_overlayer_lowered  }
0x9c: {  	s22 =	simm.s32 $0x1BFF;
	s21 =	sshll.u32 s7, $0x1;
	s4 =	sadd.s32 s5, s19  }
0x9d: {  	s8 =	simm.s32 $0x0;
	s20 =	sshll.u32 s6, $0x1;
	s6 =	sadd.s32 s21, s4  }
0x9e: {  	[timem:s8], [sflag:s22] =	dma.local [hbm:s6], s20  }
0x9f: {  	_ =	swait.ge [sflag:s22], s20  }
0xa0: {  	s5 =	ssub.s32 $0x0, s20;
	[sflag:s22] =	ssyncset.done $0x0  }
0xa1: {  	[sflag:s22] =	ssyncadd.s32 s5;
	_ =	sdelay $0x1  }
0xa2: {  	s23 =	simm.s32 $0x1B8B  }
0xa3: {  	_ =	swait.ge [sflag:s23], $0x1  }
0xa4: {  	[sflag:s23] =	ssyncset.done $0x0  }
0xa5: {  	s25 =	simm.s32 $0x1B8E;
	s24 =	sld [smem:$0x3FFE];
	[sflag:s23] =	ssyncadd.s32 $0xFFFFFFFF  }
0xa6: {  	s26 =	simm.s32 $execute0_lowered;
	[smem:$0x3FD2] =	sst s25  }
0xa7: {  	s6 =	sshll.u32 s26, $0x1;
	_ =	strace $0x80000046;
	[dreg:$0x1] =	wrdreg $0xFFFFFFFF  }
0xa8: {  	s28 =	simm.s32 $_size_execute0_lowered;
	s4 =	sadd.s32 s4, s6;
	[dreg:$0x0] =	wrdreg $0x0  }
0xa9: {  	s6 =	sshll.u32 s28, $0x1;
	[dreg:$0x2] =	wrdreg s4  }
0xaa: {  	[dreg:$0x3] =	wrdreg s6  }
0xab: {  	[dreg:$0x4] =	wrdreg $0xC0  }
0xac: {  	_ =	task [dreg:s8], $0x5FFFF  }
0xad: {  	[dreg:$0x1] =	wrdreg $0xFFFFFFFF  }
0xae: {  	[dreg:$0x0] =	wrdreg $0x60  }
0xaf: {  	[dreg:$0x2] =	wrdreg s24  }
0xb0: {  	[dreg:$0x3] =	wrdreg s2  }
0xb1: {  	[dreg:$0x4] =	wrdreg s18  }
0xb2: {  	[dreg:$0x5] =	wrdreg $0x9  }
0xb3: {  	_ =	task.clear_ibuf [dreg:s8], $0x6FFFF;
	_ =	strace $0x90000046  }
0xb4: {  	s29 =	simm.s32 $0x9;
	_ =	strace $0x80000048  }
0xb5: {  	_ =	swait.ge [sflag:s29], $0x1  }
0xb6: {  	[sflag:s29] =	ssyncadd.s32 $0xFFFFFFFF  }
0xb7: {  	_ =	strace $0x90000048  }
0xb8: {  	_ =	sfence  }
0xb9: {  	s30 =	sld [smem:$0x0];
	_ =	sdelay $0x2  }
0xba: {  	s31 =	sshll.u32 s1, $0xD;
	s1 =	sshrl.u32 s1, $0x2  }
0xbb: {  	s3 =	sand.u32 $0x4000, s31;
	s1 =	sadd.s32 s1, s30  }
0xbc: {  	s0 =	sor.u32 s3, s0;
	s1 =	sshll.u32 s1, $0x11  }
0xbd: {  	s0 =	sor.u32 s1, s0  }
0xbe: {  	s0 =	sadd.s32 $0x8F2B, s0  }
0xbf: {  	[sflag:s0] =	ssyncadd.remote.s32 $0x1  }
0xc0: {  	_ =	sfence.sel $0xFFFF  }
0xc1: {  	[dreg:$0x0] =	wrdreg $0xFFFFFFFF;
	(pc) =	sbr.abs _section_cstart, $3  }
0xc2: {  	[dreg:$0x1] =	wrdreg $0xFFFFFFFF  }
0xc3: {  	_ =	task.clear_ibuf [dreg:s8], $0x2FFFF;
	_ =	strace $0x9FFFFFFF  }
0xc4: {  	(tm) =	ssettm $0x7FFFFFFF  }
0xc5: {  	_ =	shalt  }
tec
execute0_lowered:
.L_overlay_start_1:
0x0: {  	(tag) =	ssettag $0x1  }
0x1: {  	s1 =	srdreg.scid  }
0x2: {  	s1 =	sand.u32 $0x1, s1  }
0x3: {  	p0 =	seq.s32 s1, $0x1  }
.Ltmp0:
0x4: {  	s2 =	rddreg [dreg:$0x0];
	(pc) =	sbr.rel @p0 .LBB2_4-.Ltmp0, $4  }
0x5: {  	s4 =	rddreg [dreg:$0x1]  }
0x6: {  	s3 =	rddreg [dreg:$0x2];
	s5 =	simm.s32 $0x0  }
0x7: {  	[smem:$0x7FF] =	sst s5  }
0x8: {  	s0 =	rddreg [dreg:$0x3];
	_ =	strace $0x80000047;
	s1 =	stileid.u32  }
0x9: {  	s6 =	sadd.s32 $0x9200, s2;
	s7 =	sshll.u32 s1, $0xB  }
0xa: {  	s30 =	simm.s32 $0x2;
	s6 =	sadd.s32 s6, s7  }
0xb: {  	[tilespmem:s5], [sflag:$0x2] =	stream.linear.gather [hbm4b:s6+s5], $0x4000, $0x38;
	[tilespmem:$0x60C0] =	vst v63  }
0xc: {  	_ =	swait.ge [sflag:s30], $0x4000  }
0xd: {  	[sflag:s30] =	ssyncset.done $0x0  }
0xe: {  	s8 =	simm.s32 $0x6080;
	[sflag:s30] =	ssyncadd.s32 $0xFFFFC000  }
0xf: {  	[tilespmem:s8], [sflag:$0x2] =	stream.linear.gather [hbm4b:s3+s5], $0x40, $0x38;
	[tilespmem:$0x60C0] =	vst v63  }
0x10: {  	_ =	swait.ge [sflag:s30], $0x40  }
0x11: {  	[sflag:s30] =	ssyncset.done $0x0  }
0x12: {  	[sflag:s30] =	ssyncadd.s32 $0xFFFFFFC0  }
0x13: {  	v2 =	vld [tilespmem:$0x6080]  }
0x14: {  	v3 =	vld [tilespmem:$0x6090]  }
0x15: {  	v1 =	vld [tilespmem:$0x60A0]  }
0x16: {  	s5 =	simm.s32 $0x0;
	v0 =	vld [tilespmem:$0x60B0]  }
0x17: {  	v4 =	vld [tilespmem:s5+$0x0]  }
0x18: {  	s31 =	sshll.u32 s1, $0x4;
	s3 =	sadd.s32 $0x1200, s2;
	s2 =	sadd.s32 $0x11200, s2;
	v5 =	vld [tilespmem:s5+$0x10]  }
0x19: {  	s4 =	sadd.s32 s4, s31;
	s6 =	sadd.s32 s2, s7;
	s7 =	simm.s32 $0x100;
	v6 =	vld [tilespmem:s5+$0x20]  }
.LBB2_2:
0x1a: {  	p0 =	sne.s32 s7, $0xFF00;
	v7 =	vld [tilespmem:s5+$0x30];
	_ =	sdelay $0x1  }
0x1b: {  	v4 =	vadd.f32 v4, v2  }
.Ltmp1:
0x1c: {  	v5 =	vadd.f32 v5, v3;
	(pc) =	sbr.rel @p0 .LBB2_2-.Ltmp1, $4  }
0x1d: {  	s8 =	sshra.s32 s7, $0x2;
	[tilespmem:s5+$0x0] =	vst v4;
	v6 =	vadd.f32 v6, v1  }
0x1e: {  	v4 =	vld [tilespmem:s8+$0x0];
	[tilespmem:s5+$0x10] =	vst v5;
	v7 =	vadd.f32 v7, v0  }
0x1f: {  	v5 =	vld [tilespmem:s8+$0x10];
	[tilespmem:s5+$0x20] =	vst v6  }
0x20: {  	s7 =	sadd.s32 $0x100, s7;
	v6 =	vld [tilespmem:s8+$0x20];
	[tilespmem:s5+$0x30] =	vst v7;
	s5 =	smov.u32 s8  }
0x21: {  	v7 =	vld [tilespmem:s5+$0x30];
	_ =	sdelay $0x1  }
0x22: {  	v2 =	vadd.f32 v4, v2  }
0x23: {  	v3 =	vadd.f32 v5, v3  }
0x24: {  	[tilespmem:s5+$0x0] =	vst v2;
	v1 =	vadd.f32 v6, v1  }
0x25: {  	[tilespmem:s5+$0x10] =	vst v3;
	v0 =	vadd.f32 v7, v0  }
0x26: {  	[tilespmem:s5+$0x20] =	vst v1  }
0x27: {  	s26 =	simm.s32 $0x0;
	s28 =	simm.s32 $0x2;
	[tilespmem:s5+$0x30] =	vst v0  }
0x28: {  	[hbm4b:s6+s26] =	stream.linear.scatter [tilespmem:s26], [sflag:$0x2], $0x4000, $0x38;
	[tilespmem:$0x60C0] =	vst v63  }
0x29: {  	_ =	swait.ge [sflag:s28], $0x4000  }
0x2a: {  	[sflag:s28] =	ssyncset.done $0x0  }
0x2b: {  	[sflag:s28] =	ssyncadd.s32 $0xFFFFC000  }
0x2c: {  	s7 =	simm.s32 $0x6000;
	[bflag:$0x0] =	sbarrier.arrive $0xFFFF  }
0x2d: {  	[tilespmem:s7], [sflag:$0x2] =	stream.linear.gather [hbm4b:s4+s26], $0x80, $0x38;
	[tilespmem:$0x60C0] =	vst v63  }
0x2e: {  	_ =	swait.ge [sflag:s28], $0x80  }
0x2f: {  	s29 =	simm.s32 $0x80;
	[sflag:s28] =	ssyncset.done $0x0  }
0x30: {  	s30 =	simm.s32 $0x4000;
	s31 =	simm.s32 $0x1;
	[sflag:s28] =	ssyncadd.s32 $0xFFFFFF80  }
0x31: {  	[tilespmem:s30], [sflag:$0x1] =	stream.indirect.gather [hbm4b:s3+s29], $0x40, s7, s29, $0xb8;
	[tilespmem:$0x60C0] =	vst v63  }
0x32: {  	_ =	swait.ge [sflag:s31], $0x2000  }
0x33: {  	[sflag:s31] =	ssyncset.done $0x0  }
0x34: {  	[sflag:s31] =	ssyncadd.s32 $0xFFFFE000  }
0x35: {  	[hbm4b:s2+s29] =	stream.indirect.scatter [tilespmem:s30], [sflag:$0x1], $0x40, s7, s29, $0xb8;
	[tilespmem:$0x60C0] =	vst v63  }
0x36: {  	_ =	swait.ge [sflag:s31], $0x2000  }
0x37: {  	[sflag:s31] =	ssyncset.done $0x0  }
0x38: {  	[sflag:s31] =	ssyncadd.s32 $0xFFFFE000  }
.LBB2_4:
0x39: {  	_ =	sfence.sel $0x180000  }
0x3a: {  	[bflag:$0x0] =	sbarrier.arrive $0xFFFF  }
0x3b: {  	p0 =	sne.s32 s1, $0x0;
	_ =	strace $0x90000047  }
0x3c: {  	s0 =	sadd.s32 @!p0 $0x100000, s0;
	[bflag:$0x2] =	sbarrier.arrive $0xFFFF  }
0x3d: {  	[sflag:s0] =	ssyncadd.tile.s32 @!p0 $0x1;
	_ =	shalt  }
.Lfunc_end2:
_tile_overlayer_lowered:
.L_overlay_start_2:
0x3e: {  	(tag) =	ssettag $0x2  }
0x3f: {  	s0 =	rddreg [dreg:$0x0];
	s2 =	stileid.u32  }
0x40: {  	s1 =	rddreg [dreg:$0x1];
	p0 =	sne.s32 s2, $0x0  }
0x41: {  	s3 =	rddreg [dreg:$0x2];
	[bflag:$0x3] =	sbarrier.arrive $0xFFFF;
	s2 =	simm.s32 @!p0 $0x1C02  }
0x42: {  	[timem:s3], [sflag:s2] =	dma.local @!p0 [hbm:s0], s1  }
0x43: {  	s0 =	simm.s32 @!p0 $0x2  }
0x44: {  	_ =	swait.ge @!p0 [sflag:s0], s1  }
0x45: {  	s1 =	ssub.s32 @!p0 $0x0, s1;
	[sflag:s0] =	ssyncset.done @!p0 $0x0  }
0x46: {  	[sflag:s0] =	ssyncadd.s32 @!p0 s1  }
0x47: {  	[bflag:$0x3] =	sbarrier.arrive $0xFFFF  }
0x48: {  	_ =	shalt  }

// kernel: kernel.9.cloned.1.call-start
scs
__scs_entry_jumppad:
0x0: {  	(pc) =	sbr.rel $0x88, $3  }
0x1: {  	(tag) =	ssettag $0x0;
	lr =	simm.s32 $0x1  }
0x2: {  	[smem:$0x3F9B] =	sst lr;
	_ =	strace $0xD0000000  }
0x3: {  	_ = 	snop  }
0x4: {  	_ = 	snop  }
0x5: {  	_ = 	snop  }
0x6: {  	_ = 	snop  }
0x7: {  	_ = 	snop  }
__scs_overlays_trampoline_lowered:
0x8: {  	[smem:$0x3FAA] =	sst s0  }
0x9: {  	[smem:$0x3FAB] =	sst s1  }
0xa: {  	[smem:$0x3FAC] =	sst s2  }
0xb: {  	[smem:$0x3FAD] =	sst s3  }
0xc: {  	[smem:$0x3FAE] =	sst s4  }
0xd: {  	[smem:$0x3FAF] =	sst s5  }
0xe: {  	[smem:$0x3FB0] =	sst s6  }
0xf: {  	[smem:$0x3FB1] =	sst s7  }
0x10: {  	[smem:$0x3FB2] =	sst s8  }
0x11: {  	[smem:$0x3FB3] =	sst s9;
	s0 =	simm.s32 @!p0 $0x0  }
0x12: {  	s1 =	sld [smem:$0x3F99];
	s0 =	simm.s32 @p0 $0x1  }
0x13: {  	[smem:$0x3FB4] =	sst s0;
	s0 =	simm.s32 @!p1 $0x0  }
0x14: {  	s2 =	sld [smem:$0x3F98];
	s0 =	simm.s32 @p1 $0x1  }
0x15: {  	[smem:$0x3FB5] =	sst s0;
	s0 =	simm.s32 @!p2 $0x0  }
0x16: {  	s3 =	sld [smem:$0x3FDB];
	s0 =	simm.s32 @p2 $0x1  }
0x17: {  	s4 =	simm.s32 $0x1BF5;
	[smem:$0x3FB7] =	sst s0  }
0x18: {  	s0 =	sld [smem:$0x3F9A];
	_ =	swait.ge [sflag:s4], $0x0  }
0x19: {  	s7 =	sld [smem:$0x3F9B]  }
0x1a: {  	s8 =	sadd.s32 $0xFFFFE003, lr  }
0x1b: {  	s9 =	sadd.s32 $0xFFFFFEF7, lr;
	s5 =	simm.s32 $0xFFFFFFFF;
	p2 =	slt.u32 s8, $0xFFFFF086  }
0x1c: {  	p1 =	slt.u32 s9, $0xF7A;
	s5 =	simm.s32 @!p2 $0x0  }
0x1d: {  	s5 =	simm.s32 @p1 $0x1;
	p0 =	seq.s32 s7, s2  }
0x1e: {  	s7 =	smul.u32 @!p0 $0xF7A, s2;
	p2 =	seq.s32 @!p0 s5, $0x0  }
0x1f: {  	s9 =	smul.u32 $0xF7A, s1;
	s8 =	simm.s32 @!p0 $0x1BF5;
	p2 =	por !p2, p0  }
0x20: {  	[sflag:s8] =	ssyncset.s32 @!p0 $0xFFFFF086;
	s6 =	sadd.s32 @!p0 s3, s7;
	s7 =	simm.s32 @!p0 $0x108  }
0x21: {  	s3 =	sadd.s32 s3, s9;
	s6 =	sadd.s32 @!p0 $0x88, s6;
	s7 =	simm.s32 @p2 $0x1082  }
0x22: {  	[simem:s7], [sflag:s8] =	dma.local @!p0 [hbm:s6], $0xF7A  }
0x23: {  	s9 =	sor.u32 $0xD0000000, s2;
	s6 =	simm.s32 $0x108;
	_ =	swait.ge @!p0 [sflag:s8], $0x0  }
0x24: {  	s3 =	sadd.s32 $0x88, s3;
	s6 =	simm.s32 @!p1 $0x1082;
	[sflag:s4] =	ssyncset.s32 $0xFFFFF086  }
0x25: {  	[simem:s6], [sflag:s4] =	dma.local [hbm:s3], $0xF7A  }
0x26: {  	[smem:$0x3F9B] =	sst s1;
	(tag) =	ssettag s2;
	_ =	strace s9  }
0x27: {  	s1 =	sld [smem:$0x3FAB]  }
0x28: {  	s2 =	sld [smem:$0x3FAC]  }
0x29: {  	s4 =	sld [smem:$0x3FAE]  }
0x2a: {  	p0 =	seq.s32 s5, $0x0;
	s5 =	sld [smem:$0x3FAF]  }
0x2b: {  	s6 =	sld [smem:$0x3FB0]  }
0x2c: {  	s7 =	sld [smem:$0x3FB1]  }
0x2d: {  	s3 =	simm.s32 $0x108;
	s8 =	sld [smem:$0x3FB2]  }
0x2e: {  	s3 =	simm.s32 @!p0 $0x1082;
	s9 =	sld [smem:$0x3FB3]  }
0x2f: {  	lr =	sadd.s32 s0, s3;
	s0 =	sld [smem:$0x3FAA]  }
0x30: {  	s3 =	sld [smem:$0x3FAD]  }
0x31: {  	[smem:$0x3FB6] =	sst s10  }
0x32: {  	s10 =	sld [smem:$0x3FB4];
	_ =	sdelay $0x3  }
0x33: {  	p0 =	seq.s32 s10, $0x1;
	s10 =	sld [smem:$0x3FB6];
	_ =	sdelay $0x3  }
0x34: {  	[smem:$0x3FB6] =	sst s10  }
0x35: {  	s10 =	sld [smem:$0x3FB5];
	_ =	sdelay $0x3  }
0x36: {  	p1 =	seq.s32 s10, $0x1;
	s10 =	sld [smem:$0x3FB6];
	_ =	sdelay $0x3  }
0x37: {  	[smem:$0x3FB6] =	sst s10  }
0x38: {  	s10 =	sld [smem:$0x3FB7]  }
0x39: {  	_ = 	snop;
	(pc) =	sbr.ind lr, $3  }
0x3a: {  	_ = 	snop  }
0x3b: {  	_ = 	snop  }
0x3c: {  	p2 =	seq.s32 s10, $0x1;
	s10 =	sld [smem:$0x3FB6]  }
0x3d: {  	_ =	shalt  }
0x3e: {  	_ =	shalt  }
0x3f: {  	_ =	shalt  }
0x40: {  	_ =	shalt  }
0x41: {  	_ =	shalt  }
0x42: {  	_ =	shalt  }
0x43: {  	_ =	shalt  }
0x44: {  	_ =	shalt  }
0x45: {  	_ =	shalt  }
0x46: {  	_ =	shalt  }
0x47: {  	_ =	shalt  }
0x48: {  	_ =	shalt  }
0x49: {  	_ =	shalt  }
0x4a: {  	_ =	shalt  }
0x4b: {  	_ =	shalt  }
0x4c: {  	_ =	shalt  }
0x4d: {  	_ =	shalt  }
0x4e: {  	_ =	shalt  }
0x4f: {  	_ =	shalt  }
0x50: {  	_ =	shalt  }
0x51: {  	_ =	shalt  }
0x52: {  	_ =	shalt  }
0x53: {  	_ =	shalt  }
0x54: {  	_ =	shalt  }
0x55: {  	_ =	shalt  }
0x56: {  	_ =	shalt  }
0x57: {  	_ =	shalt  }
0x58: {  	_ =	shalt  }
0x59: {  	_ =	shalt  }
0x5a: {  	_ =	shalt  }
0x5b: {  	_ =	shalt  }
0x5c: {  	_ =	shalt  }
0x5d: {  	_ =	shalt  }
0x5e: {  	_ =	shalt  }
0x5f: {  	_ =	shalt  }
0x60: {  	_ =	shalt  }
0x61: {  	_ =	shalt  }
0x62: {  	_ =	shalt  }
0x63: {  	_ =	shalt  }
0x64: {  	_ =	shalt  }
0x65: {  	_ =	shalt  }
0x66: {  	_ =	shalt  }
0x67: {  	_ =	shalt  }
0x68: {  	_ =	shalt  }
0x69: {  	_ =	shalt  }
0x6a: {  	_ =	shalt  }
0x6b: {  	_ =	shalt  }
0x6c: {  	_ =	shalt  }
0x6d: {  	_ =	shalt  }
0x6e: {  	_ =	shalt  }
0x6f: {  	_ =	shalt  }
0x70: {  	_ =	shalt  }
0x71: {  	_ =	shalt  }
0x72: {  	_ =	shalt  }
0x73: {  	_ =	shalt  }
0x74: {  	_ =	shalt  }
0x75: {  	_ =	shalt  }
0x76: {  	_ =	shalt  }
0x77: {  	_ =	shalt  }
0x78: {  	_ =	shalt  }
0x79: {  	_ =	shalt  }
0x7a: {  	_ =	shalt  }
0x7b: {  	_ =	shalt  }
0x7c: {  	_ =	shalt  }
0x7d: {  	_ =	shalt  }
0x7e: {  	_ =	shalt  }
0x7f: {  	_ =	shalt  }
0x80: {  	_ =	shalt  }
0x81: {  	_ =	shalt  }
0x82: {  	_ =	shalt  }
0x83: {  	_ =	shalt  }
0x84: {  	_ =	shalt  }
0x85: {  	_ =	shalt  }
0x86: {  	_ =	shalt  }
0x87: {  	_ =	shalt  }
.Lfunc_end0:
.L_simem_size_0:
called_computation.1_lowered:
.L_overlay_start_0:
0x88: {  	s2 =	sld [smem:$0x3FD9]  }
0x89: {  	s3 =	sld [smem:$0x3FFE];
	_ =	sdelay $0x1  }
0x8a: {  	s1 =	srdreg.scid  }
0x8b: {  	s0 =	sand.u32 $0x1, s1  }
0x8c: {  	s17 =	sshll.u32 s0, $0xA;
	s2 =	sadd.s32 s3, s2  }
0x8d: {  	s2 =	sadd.s32 s2, s17  }
0x8e: {  	[smem:$0x3FC2] =	sst s2  }
0x8f: {  	_ = 	snop  }
0x90: {  	s2 =	sld [smem:$0x3FC9]  }
0x91: {  	s18 =	sld [smem:$0x3FD0];
	(tm) =	ssettm $0x1  }
0x92: {  	s4 =	sld [smem:$0x3FFB];
	_ =	sdelay $0x3  }
0x93: {  	_ =	strace s4  }
0x94: {  	s4 =	sld [smem:$0x3FFC];
	_ =	sdelay $0x3  }
0x95: {  	_ =	strace s4  }
0x96: {  	s4 =	sld [smem:$0x3FFD];
	_ =	sdelay $0x3  }
0x97: {  	_ =	strace s4  }
0x98: {  	_ =	strace $0x8FFFFFFF  }
0x99: {  	s19 =	sld [smem:$0x3FDB];
	_ =	sdelay $0x1  }
0x9a: {  	s5 =	simm.s32 $_scs_section_size  }
0x9b: {  	s6 =	simm.s32 $_size__tile_overlayer_lowered;
	s7 =	simm.s32 $_tile_overlayer_lowered  }
0x9c: {  	s22 =	simm.s32 $0x1BFF;
	s21 =	sshll.u32 s7, $0x1;
	s4 =	sadd.s32 s5, s19  }
0x9d: {  	s8 =	simm.s32 $0x0;
	s20 =	sshll.u32 s6, $0x1;
	s6 =	sadd.s32 s21, s4  }
0x9e: {  	[timem:s8], [sflag:s22] =	dma.local [hbm:s6], s20  }
0x9f: {  	_ =	swait.ge [sflag:s22], s20  }
0xa0: {  	s5 =	ssub.s32 $0x0, s20;
	[sflag:s22] =	ssyncset.done $0x0  }
0xa1: {  	[sflag:s22] =	ssyncadd.s32 s5;
	_ =	sdelay $0x1  }
0xa2: {  	s23 =	simm.s32 $0x1B8B  }
0xa3: {  	_ =	swait.ge [sflag:s23], $0x1  }
0xa4: {  	[sflag:s23] =	ssyncset.done $0x0  }
0xa5: {  	s25 =	simm.s32 $0x1B8E;
	s24 =	sld [smem:$0x3FFE];
	[sflag:s23] =	ssyncadd.s32 $0xFFFFFFFF  }
0xa6: {  	s26 =	simm.s32 $execute0_lowered;
	[smem:$0x3FD2] =	sst s25  }
0xa7: {  	s6 =	sshll.u32 s26, $0x1;
	_ =	strace $0x80000049;
	[dreg:$0x1] =	wrdreg $0xFFFFFFFF  }
0xa8: {  	s28 =	simm.s32 $_size_execute0_lowered;
	s4 =	sadd.s32 s4, s6;
	[dreg:$0x0] =	wrdreg $0x0  }
0xa9: {  	s6 =	sshll.u32 s28, $0x1;
	[dreg:$0x2] =	wrdreg s4  }
0xaa: {  	[dreg:$0x3] =	wrdreg s6  }
0xab: {  	[dreg:$0x4] =	wrdreg $0xC0  }
0xac: {  	_ =	task [dreg:s8], $0x5FFFF  }
0xad: {  	[dreg:$0x1] =	wrdreg $0xFFFFFFFF  }
0xae: {  	[dreg:$0x0] =	wrdreg $0x60  }
0xaf: {  	[dreg:$0x2] =	wrdreg s24  }
0xb0: {  	[dreg:$0x3] =	wrdreg s2  }
0xb1: {  	[dreg:$0x4] =	wrdreg s18  }
0xb2: {  	[dreg:$0x5] =	wrdreg $0x9  }
0xb3: {  	_ =	task.clear_ibuf [dreg:s8], $0x6FFFF;
	_ =	strace $0x90000049  }
0xb4: {  	s29 =	simm.s32 $0x9;
	_ =	strace $0x8000004B  }
0xb5: {  	_ =	swait.ge [sflag:s29], $0x1  }
0xb6: {  	[sflag:s29] =	ssyncadd.s32 $0xFFFFFFFF  }
0xb7: {  	_ =	strace $0x9000004B  }
0xb8: {  	_ =	sfence  }
0xb9: {  	s30 =	sld [smem:$0x0];
	_ =	sdelay $0x2  }
0xba: {  	s31 =	sshll.u32 s1, $0xD;
	s1 =	sshrl.u32 s1, $0x2  }
0xbb: {  	s3 =	sand.u32 $0x4000, s31;
	s1 =	sadd.s32 s1, s30  }
0xbc: {  	s0 =	sor.u32 s3, s0;
	s1 =	sshll.u32 s1, $0x11  }
0xbd: {  	s0 =	sor.u32 s1, s0  }
0xbe: {  	s0 =	sadd.s32 $0x8F2B, s0  }
0xbf: {  	[sflag:s0] =	ssyncadd.remote.s32 $0x1  }
0xc0: {  	_ =	sfence.sel $0xFFFF  }
0xc1: {  	[dreg:$0x0] =	wrdreg $0xFFFFFFFF;
	(pc) =	sbr.abs _section_cstart, $3  }
0xc2: {  	[dreg:$0x1] =	wrdreg $0xFFFFFFFF  }
0xc3: {  	_ =	task.clear_ibuf [dreg:s8], $0x2FFFF;
	_ =	strace $0x9FFFFFFF  }
0xc4: {  	(tm) =	ssettm $0x7FFFFFFF  }
0xc5: {  	_ =	shalt  }
tec
execute0_lowered:
.L_overlay_start_1:
0x0: {  	(tag) =	ssettag $0x1  }
0x1: {  	s5 =	rddreg [dreg:$0x0]  }
0x2: {  	s1 =	rddreg [dreg:$0x1]  }
0x3: {  	s2 =	rddreg [dreg:$0x2]  }
0x4: {  	s0 =	rddreg [dreg:$0x3];
	s3 =	simm.s32 $0x0  }
0x5: {  	s4 =	srdreg.scid;
	s10 =	simm.s32 $0x1800;
	s11 =	simm.s32 $0x3  }
0x6: {  	s12 =	simm.s32 $0x80;
	s13 =	simm.s32 $0x1C00;
	s14 =	simm.s32 $0x5C00  }
0x7: {  	v0 =	vlaneseq.u32;
	s15 =	simm.s32 $0x1;
	s16 =	simm.s32 $0x9C00;
	s17 =	simm.s32 $0x2  }
0x8: {  	s18 =	simm.s32 $0xBC00;
	[smem:$0x7FF] =	sst s3;
	s6 =	sand.u32 $0x1, s4;
	v0 =	vmul.u32 $0x80, v0  }
0x9: {  	s4 =	stileid.u32;
	s5 =	sadd.s32 $0x1200, s5;
	s7 =	ssub.s32 $0x2, s6  }
0xa: {  	s9 =	sshll.u32 s4, $0x3;
	s6 =	sshll.u32 s6, $0x2;
	s8 =	sshrl.u32 s7, $0x1;
	v1 =	vor.u32 $0x800, v0  }
0xb: {  	_ =	strace $0x8000004A;
	s6 =	sor.u32 s6, s9;
	v2 =	vor.u32 $0x1000, v0;
	v3 =	vor.u32 $0x1800, v0;
	v4 =	vor.u32 $0x2000, v0;
	s7 =	ssub.s32 s7, s8  }
0xc: {  	s9 =	simm.s32 $0x20000;
	v5 =	vor.u32 $0x2800, v0;
	v6 =	vor.u32 $0x3000, v0;
	v7 =	vor.u32 $0x3800, v0;
	s8 =	simm.s32 $0x400;
	s7 =	smax.u32 s7, $0x1  }
.LBB2_1:
0xd: {  	s19 =	simm.s32 $0x0  }
.LBB2_2:
0xe: {  	s21 =	sadd.s32 s6, s19  }
0xf: {  	s20 =	sshll.u32 s21, $0x7  }
0x10: {  	s22 =	sadd.s32 s1, s20;
	s20 =	simm.s32 $0x0  }
0x11: {  	[tilespmem:s20], [sflag:$0x3] =	stream.strided.gather [hbm4b:s22+s8], $0x1800, s9, s8, $0x38;
	[tilespmem:$0xDC00] =	vst v63  }
0x12: {  	s22 =	sadd.s32 $0x18000, s22  }
0x13: {  	[tilespmem:s10], [sflag:$0x3] =	stream.linear.gather [hbm4b:s22+s20], $0x100, $0x38;
	[tilespmem:$0xDC00] =	vst v63  }
0x14: {  	_ =	swait.ge [sflag:s11], $0x1900  }
0x15: {  	[sflag:s11] =	ssyncset.done $0x0  }
0x16: {  	s21 =	sshll.u32 s21, $0xA;
	s22 =	simm.s32 $0x0;
	[sflag:s11] =	ssyncadd.s32 $0xFFFFE700  }
0x17: {  	[tilespmem:s13], [sflag:$0x1] =	stream.indirect.gather [hbm4b:s5+s12], $0x80, s20, s12, $0xb8;
	[tilespmem:$0xDC00] =	vst v63  }
.LBB2_3:
0x18: {  	s23 =	sshllo.u32 s22, $0x1  }
0x19: {  	v8 =	vmov s20;
	s24 =	sshll.u32 s23, $0x7  }
0x1a: {  	v8 =	vand.u32 $0x7F, v8;
	s24 =	sand.u32 $0x3FFFFF80, s24  }
0x1b: {  	v8 =	vbroadcast v8, $0x0;
	[tilespmem:s14], [sflag:$0x1] =	stream.indirect.gather [hbm4b:s5+s12], $0x80, s24, s12, $0xb8;
	[tilespmem:$0xDC00] =	vst v63  }
0x1c: {  	_ =	swait.ge [sflag:s15], $0x4000  }
0x1d: {  	p0 =	seq.s32 s22, $0x0;
	v9 =	vor.u32 v0, v8;
	[sflag:s15] =	ssyncset.done $0x0  }
0x1e: {  	s24 =	simm.s32 @!p0 $0x2;
	[sflag:s15] =	ssyncadd.s32 $0xFFFFC000  }
0x1f: {  	_ =	swait.ge @!p0 [sflag:s24], $0x2000  }
0x20: {  	[sflag:s24] =	ssyncset.done @!p0 $0x0  }
0x21: {  	[sflag:s24] =	ssyncadd.s32 @!p0 $0xFFFFE000  }
0x22: {  	v9 =	vld.idx.msk [tilespmem:v9+s13+$0x0], $0xffff  }
0x23: {  	v10 =	vor.u32 v1, v8;
	_ =	sdelay $0x2  }
0x24: {  	s24 =	simm.s32 $0x9C40  }
0x25: {  	[tilespmem:s24+$0xFFFFFFC0] =	vst v9  }
0x26: {  	v9 =	vld.idx.msk [tilespmem:v10+s13+$0x0], $0xffff  }
0x27: {  	v10 =	vor.u32 v2, v8;
	_ =	sdelay $0x3  }
0x28: {  	[tilespmem:s24+$0xFFFFFFD0] =	vst v9  }
0x29: {  	v9 =	vld.idx.msk [tilespmem:v10+s13+$0x0], $0xffff  }
0x2a: {  	v10 =	vor.u32 v3, v8;
	_ =	sdelay $0x3  }
0x2b: {  	[tilespmem:s24+$0xFFFFFFE0] =	vst v9  }
0x2c: {  	v9 =	vld.idx.msk [tilespmem:v10+s13+$0x0], $0xffff  }
0x2d: {  	v10 =	vor.u32 v4, v8;
	_ =	sdelay $0x3  }
0x2e: {  	[tilespmem:s24+$0xFFFFFFF0] =	vst v9  }
0x2f: {  	v9 =	vld.idx.msk [tilespmem:v10+s13+$0x0], $0xffff  }
0x30: {  	v10 =	vor.u32 v5, v8;
	_ =	sdelay $0x3  }
0x31: {  	[tilespmem:s24+$0x0] =	vst v9  }
0x32: {  	v9 =	vld.idx.msk [tilespmem:v10+s13+$0x0], $0xffff  }
0x33: {  	v10 =	vor.u32 v6, v8;
	_ =	sdelay $0x3  }
0x34: {  	[tilespmem:s24+$0x10] =	vst v9  }
0x35: {  	v9 =	vld.idx.msk [tilespmem:v10+s13+$0x0], $0xffff  }
0x36: {  	v8 =	vor.u32 v7, v8;
	_ =	sdelay $0x1  }
0x37: {  	s25 =	simm.s32 $0x1  }
0x38: {  	v10 =	vmov s25;
	s25 =	simm.s32 $0x2  }
.LBB2_4:
0x39: {  	p1 =	sne.s32 s25, $0x3F;
	v10 =	vand.u32 $0x7F, v10;
	[tilespmem:s24+$0x20] =	vst v9  }
0x3a: {  	v10 =	vbroadcast v10, $0x0;
	v8 =	vld.idx.msk [tilespmem:v8+s13+$0x0], $0xffff;
	_ =	sdelay $0x1  }
0x3b: {  	v9 =	vor.u32 v0, v10;
	_ =	sdelay $0x3  }
0x3c: {  	[tilespmem:s24+$0x30] =	vst v8  }
0x3d: {  	v8 =	vld.idx.msk [tilespmem:v9+s13+$0x0], $0xffff;
	_ =	sdelay $0x1  }
0x3e: {  	v9 =	vor.u32 v1, v10;
	_ =	sdelay $0x2  }
0x3f: {  	s24 =	sadd.s32 $0x80, s24  }
0x40: {  	[tilespmem:s24+$0xFFFFFFC0] =	vst v8  }
0x41: {  	v8 =	vld.idx.msk [tilespmem:v9+s13+$0x0], $0xffff;
	_ =	sdelay $0x1  }
0x42: {  	v9 =	vor.u32 v2, v10;
	_ =	sdelay $0x3  }
0x43: {  	[tilespmem:s24+$0xFFFFFFD0] =	vst v8  }
0x44: {  	v8 =	vld.idx.msk [tilespmem:v9+s13+$0x0], $0xffff;
	_ =	sdelay $0x1  }
0x45: {  	v9 =	vor.u32 v3, v10;
	_ =	sdelay $0x3  }
0x46: {  	[tilespmem:s24+$0xFFFFFFE0] =	vst v8  }
0x47: {  	v8 =	vld.idx.msk [tilespmem:v9+s13+$0x0], $0xffff;
	_ =	sdelay $0x1  }
0x48: {  	v9 =	vor.u32 v4, v10;
	_ =	sdelay $0x3  }
0x49: {  	[tilespmem:s24+$0xFFFFFFF0] =	vst v8  }
0x4a: {  	v8 =	vld.idx.msk [tilespmem:v9+s13+$0x0], $0xffff;
	_ =	sdelay $0x1  }
0x4b: {  	v9 =	vor.u32 v5, v10;
	_ =	sdelay $0x3  }
0x4c: {  	[tilespmem:s24+$0x0] =	vst v8  }
0x4d: {  	v8 =	vld.idx.msk [tilespmem:v9+s13+$0x0], $0xffff;
	_ =	sdelay $0x1  }
0x4e: {  	v9 =	vor.u32 v6, v10;
	_ =	sdelay $0x3  }
0x4f: {  	[tilespmem:s24+$0x10] =	vst v8  }
0x50: {  	v9 =	vld.idx.msk [tilespmem:v9+s13+$0x0], $0xffff  }
.Ltmp0:
0x51: {  	(pc) =	sbr.rel @p1 .LBB2_4-.Ltmp0, $2  }
0x52: {  	v8 =	vor.u32 v7, v10;
	_ =	sdelay $0x2  }
0x53: {  	v10 =	vmov s25;
	s25 =	sadd.s32 $0x1, s25  }
0x54: {  	_ =	sdelay $0x1  }
0x55: {  	v10 =	vand.u32 $0x7F, v10  }
0x56: {  	[tilespmem:s24+$0x20] =	vst v9;
	v57 =	vbroadcast v10, $0x0  }
0x57: {  	v8 =	vld.idx.msk [tilespmem:v8+s13+$0x0], $0xffff  }
0x58: {  	v10 =	vor.u32 v0, v57;
	_ =	sdelay $0x3  }
0x59: {  	[tilespmem:s24+$0x30] =	vst v8  }
0x5a: {  	v8 =	vld.idx.msk [tilespmem:v10+s13+$0x0], $0xffff  }
0x5b: {  	v58 =	vor.u32 v1, v57;
	_ =	sdelay $0x2  }
0x5c: {  	s30 =	sadd.s32 $0x80, s24  }
0x5d: {  	[tilespmem:s30+$0xFFFFFFC0] =	vst v8  }
0x5e: {  	v8 =	vld.idx.msk [tilespmem:v58+s13+$0x0], $0xffff  }
0x5f: {  	v59 =	vor.u32 v2, v57;
	_ =	sdelay $0x3  }
0x60: {  	[tilespmem:s30+$0xFFFFFFD0] =	vst v8  }
0x61: {  	v8 =	vld.idx.msk [tilespmem:v59+s13+$0x0], $0xffff  }
0x62: {  	v60 =	vor.u32 v3, v57;
	_ =	sdelay $0x3  }
0x63: {  	[tilespmem:s30+$0xFFFFFFE0] =	vst v8  }
0x64: {  	v8 =	vld.idx.msk [tilespmem:v60+s13+$0x0], $0xffff  }
0x65: {  	v61 =	vor.u32 v4, v57;
	_ =	sdelay $0x3  }
0x66: {  	[tilespmem:s30+$0xFFFFFFF0] =	vst v8  }
0x67: {  	v8 =	vld.idx.msk [tilespmem:v61+s13+$0x0], $0xffff  }
0x68: {  	v62 =	vor.u32 v5, v57;
	_ =	sdelay $0x3  }
0x69: {  	[tilespmem:s30+$0x0] =	vst v8  }
0x6a: {  	v8 =	vld.idx.msk [tilespmem:v62+s13+$0x0], $0xffff  }
0x6b: {  	v63 =	vor.u32 v6, v57;
	_ =	sdelay $0x3  }
0x6c: {  	[tilespmem:s30+$0x10] =	vst v8  }
0x6d: {  	v8 =	vld.idx.msk [tilespmem:v63+s13+$0x0], $0xffff  }
0x6e: {  	v9 =	vor.u32 v7, v57;
	_ =	sdelay $0x3  }
0x6f: {  	[tilespmem:s30+$0x20] =	vst v8  }
0x70: {  	v8 =	vld.idx.msk [tilespmem:v9+s13+$0x0], $0xffff  }
0x71: {  	p1 =	sne.s32 s22, $0x18  }
.Ltmp1:
0x72: {  	s25 =	sshll.u32 s22, $0x15;
	(pc) =	sbr.rel @p1 .LBB2_7-.Ltmp1, $4  }
0x73: {  	s25 =	sadd.s32 s21, s25  }
0x74: {  	s25 =	sshrl.u32 s25, $0x3  }
0x75: {  	s31 =	sadd.s32 s2, s25;
	[tilespmem:s30+$0x30] =	vst v8  }
0x76: {  	[hbm4b:s31+s8] =	stream.strided.scatter [tilespmem:s16], [sflag:$0x2], $0x2000, s9, s8, $0x38;
	[tilespmem:$0xDC00] =	vst v63  }
.Ltmp2:
0x77: {  	(pc) =	sbr.rel .LBB2_8-.Ltmp2, $4  }
0x78: {  	_ = 	snop  }
0x79: {  	_ =	swait.ge [sflag:s15], $0x4000  }
0x7a: {  	[sflag:s15] =	ssyncset.done $0x0  }
0x7b: {  	[sflag:s15] =	ssyncadd.s32 $0xFFFFC000  }
.LBB2_7:
0x7c: {  	s24 =	sshll.u32 s22, $0x8  }
0x7d: {  	s24 =	sand.u32 $0x3FFFFF00, s24  }
.Ltmp3:
0x7e: {  	s24 =	sadd.s32 $0x100, s24;
	(pc) =	sbr.rel @p0 .LBB2_9-.Ltmp3, $4  }
0x7f: {  	[tilespmem:s13], [sflag:$0x1] =	stream.indirect.gather [hbm4b:s5+s12], $0x80, s24, s12, $0xb8;
	[tilespmem:$0xDC00] =	vst v63  }
0x80: {  	_ =	swait.ge [sflag:s15], $0x4000  }
0x81: {  	[sflag:s15] =	ssyncset.done $0x0  }
0x82: {  	[sflag:s15] =	ssyncadd.s32 $0xFFFFC000  }
.LBB2_8:
0x83: {  	_ =	swait.ge [sflag:s17], $0x2000  }
0x84: {  	[sflag:s17] =	ssyncset.done $0x0  }
0x85: {  	[sflag:s17] =	ssyncadd.s32 $0xFFFFE000  }
.LBB2_9:
0x86: {  	s24 =	simm.s32 $0x0  }
0x87: {  	v8 =	vmov s24  }
0x88: {  	v8 =	vand.u32 $0x7F, v8  }
0x89: {  	v8 =	vbroadcast v8, $0x0;
	_ =	sdelay $0x1  }
0x8a: {  	v9 =	vor.u32 v0, v8;
	_ =	sdelay $0x4  }
0x8b: {  	v9 =	vld.idx.msk [tilespmem:v9+s14+$0x0], $0xffff  }
0x8c: {  	v10 =	vor.u32 v1, v8;
	_ =	sdelay $0x2  }
0x8d: {  	s24 =	simm.s32 $0xBC40  }
0x8e: {  	[tilespmem:s24+$0xFFFFFFC0] =	vst v9  }
0x8f: {  	v9 =	vld.idx.msk [tilespmem:v10+s14+$0x0], $0xffff  }
0x90: {  	v10 =	vor.u32 v2, v8;
	_ =	sdelay $0x3  }
0x91: {  	[tilespmem:s24+$0xFFFFFFD0] =	vst v9  }
0x92: {  	v9 =	vld.idx.msk [tilespmem:v10+s14+$0x0], $0xffff  }
0x93: {  	v10 =	vor.u32 v3, v8;
	_ =	sdelay $0x3  }
0x94: {  	[tilespmem:s24+$0xFFFFFFE0] =	vst v9  }
0x95: {  	v9 =	vld.idx.msk [tilespmem:v10+s14+$0x0], $0xffff  }
0x96: {  	v10 =	vor.u32 v4, v8;
	_ =	sdelay $0x3  }
0x97: {  	[tilespmem:s24+$0xFFFFFFF0] =	vst v9  }
0x98: {  	v9 =	vld.idx.msk [tilespmem:v10+s14+$0x0], $0xffff  }
0x99: {  	v10 =	vor.u32 v5, v8;
	_ =	sdelay $0x3  }
0x9a: {  	[tilespmem:s24+$0x0] =	vst v9  }
0x9b: {  	v9 =	vld.idx.msk [tilespmem:v10+s14+$0x0], $0xffff  }
0x9c: {  	v10 =	vor.u32 v6, v8;
	_ =	sdelay $0x3  }
0x9d: {  	[tilespmem:s24+$0x10] =	vst v9  }
0x9e: {  	v9 =	vld.idx.msk [tilespmem:v10+s14+$0x0], $0xffff  }
0x9f: {  	v8 =	vor.u32 v7, v8;
	_ =	sdelay $0x1  }
0xa0: {  	s25 =	simm.s32 $0x1  }
0xa1: {  	v10 =	vmov s25;
	s25 =	simm.s32 $0x2  }
.LBB2_10:
0xa2: {  	p0 =	sne.s32 s25, $0x3F;
	v10 =	vand.u32 $0x7F, v10;
	[tilespmem:s24+$0x20] =	vst v9  }
0xa3: {  	v10 =	vbroadcast v10, $0x0;
	v8 =	vld.idx.msk [tilespmem:v8+s14+$0x0], $0xffff;
	_ =	sdelay $0x1  }
0xa4: {  	v9 =	vor.u32 v0, v10;
	_ =	sdelay $0x3  }
0xa5: {  	[tilespmem:s24+$0x30] =	vst v8  }
0xa6: {  	v8 =	vld.idx.msk [tilespmem:v9+s14+$0x0], $0xffff;
	_ =	sdelay $0x1  }
0xa7: {  	v9 =	vor.u32 v1, v10;
	_ =	sdelay $0x2  }
0xa8: {  	s24 =	sadd.s32 $0x80, s24  }
0xa9: {  	[tilespmem:s24+$0xFFFFFFC0] =	vst v8  }
0xaa: {  	v8 =	vld.idx.msk [tilespmem:v9+s14+$0x0], $0xffff;
	_ =	sdelay $0x1  }
0xab: {  	v9 =	vor.u32 v2, v10;
	_ =	sdelay $0x3  }
0xac: {  	[tilespmem:s24+$0xFFFFFFD0] =	vst v8  }
0xad: {  	v8 =	vld.idx.msk [tilespmem:v9+s14+$0x0], $0xffff;
	_ =	sdelay $0x1  }
0xae: {  	v9 =	vor.u32 v3, v10;
	_ =	sdelay $0x3  }
0xaf: {  	[tilespmem:s24+$0xFFFFFFE0] =	vst v8  }
0xb0: {  	v8 =	vld.idx.msk [tilespmem:v9+s14+$0x0], $0xffff;
	_ =	sdelay $0x1  }
0xb1: {  	v9 =	vor.u32 v4, v10;
	_ =	sdelay $0x3  }
0xb2: {  	[tilespmem:s24+$0xFFFFFFF0] =	vst v8  }
0xb3: {  	v8 =	vld.idx.msk [tilespmem:v9+s14+$0x0], $0xffff;
	_ =	sdelay $0x1  }
0xb4: {  	v9 =	vor.u32 v5, v10;
	_ =	sdelay $0x3  }
0xb5: {  	[tilespmem:s24+$0x0] =	vst v8  }
0xb6: {  	v8 =	vld.idx.msk [tilespmem:v9+s14+$0x0], $0xffff;
	_ =	sdelay $0x1  }
0xb7: {  	v9 =	vor.u32 v6, v10;
	_ =	sdelay $0x3  }
0xb8: {  	[tilespmem:s24+$0x10] =	vst v8  }
0xb9: {  	v9 =	vld.idx.msk [tilespmem:v9+s14+$0x0], $0xffff  }
.Ltmp4:
0xba: {  	(pc) =	sbr.rel @p0 .LBB2_10-.Ltmp4, $2  }
0xbb: {  	v8 =	vor.u32 v7, v10;
	_ =	sdelay $0x2  }
0xbc: {  	v10 =	vmov s25;
	s25 =	sadd.s32 $0x1, s25  }
0xbd: {  	_ =	sdelay $0x1  }
0xbe: {  	v10 =	vand.u32 $0x7F, v10  }
0xbf: {  	[tilespmem:s24+$0x20] =	vst v9;
	v57 =	vbroadcast v10, $0x0  }
0xc0: {  	v8 =	vld.idx.msk [tilespmem:v8+s14+$0x0], $0xffff  }
0xc1: {  	v10 =	vor.u32 v0, v57;
	_ =	sdelay $0x3  }
0xc2: {  	[tilespmem:s24+$0x30] =	vst v8  }
0xc3: {  	v8 =	vld.idx.msk [tilespmem:v10+s14+$0x0], $0xffff  }
0xc4: {  	v58 =	vor.u32 v1, v57;
	_ =	sdelay $0x2  }
0xc5: {  	s31 =	sadd.s32 $0x80, s24  }
0xc6: {  	[tilespmem:s31+$0xFFFFFFC0] =	vst v8  }
0xc7: {  	v8 =	vld.idx.msk [tilespmem:v58+s14+$0x0], $0xffff  }
0xc8: {  	v59 =	vor.u32 v2, v57;
	_ =	sdelay $0x3  }
0xc9: {  	[tilespmem:s31+$0xFFFFFFD0] =	vst v8  }
0xca: {  	v8 =	vld.idx.msk [tilespmem:v59+s14+$0x0], $0xffff  }
0xcb: {  	v60 =	vor.u32 v3, v57;
	_ =	sdelay $0x3  }
0xcc: {  	[tilespmem:s31+$0xFFFFFFE0] =	vst v8  }
0xcd: {  	v8 =	vld.idx.msk [tilespmem:v60+s14+$0x0], $0xffff  }
0xce: {  	v61 =	vor.u32 v4, v57;
	_ =	sdelay $0x3  }
0xcf: {  	[tilespmem:s31+$0xFFFFFFF0] =	vst v8  }
0xd0: {  	v8 =	vld.idx.msk [tilespmem:v61+s14+$0x0], $0xffff  }
0xd1: {  	v62 =	vor.u32 v5, v57;
	_ =	sdelay $0x3  }
0xd2: {  	[tilespmem:s31+$0x0] =	vst v8  }
0xd3: {  	v8 =	vld.idx.msk [tilespmem:v62+s14+$0x0], $0xffff  }
0xd4: {  	v63 =	vor.u32 v6, v57;
	_ =	sdelay $0x3  }
0xd5: {  	[tilespmem:s31+$0x10] =	vst v8  }
0xd6: {  	v8 =	vld.idx.msk [tilespmem:v63+s14+$0x0], $0xffff  }
0xd7: {  	v9 =	vor.u32 v7, v57;
	_ =	sdelay $0x3  }
0xd8: {  	[tilespmem:s31+$0x20] =	vst v8  }
0xd9: {  	s22 =	sadd.s32 $0x1, s22;
	v8 =	vld.idx.msk [tilespmem:v9+s14+$0x0], $0xffff  }
0xda: {  	p0 =	sne.s32 s22, $0x19  }
.Ltmp5:
0xdb: {  	s23 =	sshll.u32 s23, $0x14;
	(pc) =	sbr.rel @p0 .LBB2_3-.Ltmp5, $4  }
0xdc: {  	s23 =	sadd.s32 s21, s23  }
0xdd: {  	s23 =	sshrl.u32 s23, $0x3  }
0xde: {  	s23 =	sadd.s32 s2, s23;
	[tilespmem:s31+$0x30] =	vst v8  }
0xdf: {  	[hbm4b:s23+s8] =	stream.strided.scatter [tilespmem:s18], [sflag:$0x2], $0x2000, s9, s8, $0x38;
	[tilespmem:$0xDC00] =	vst v63  }
0xe0: {  	s19 =	sadd.s32 $0x1, s19  }
0xe1: {  	_ =	swait.ge [sflag:s17], $0x2000;
	p0 =	sne.s32 s19, $0x4  }
.Ltmp6:
0xe2: {  	[sflag:s17] =	ssyncset.done $0x0;
	(pc) =	sbr.rel @p0 .LBB2_2-.Ltmp6, $4  }
0xe3: {  	[sflag:s17] =	ssyncadd.s32 $0xFFFFE000  }
0xe4: {  	_ =	swait.ge [sflag:s17], $0x2000  }
0xe5: {  	[sflag:s17] =	ssyncset.done $0x0  }
0xe6: {  	[sflag:s17] =	ssyncadd.s32 $0xFFFFE000  }
0xe7: {  	s3 =	sadd.s32 $0x1, s3  }
0xe8: {  	p0 =	sne.s32 s3, s7  }
.Ltmp7:
0xe9: {  	_ = 	snop;
	(pc) =	sbr.rel @p0 .LBB2_1-.Ltmp7, $1  }
0xea: {  	_ =	sdelay $0x3  }
0xeb: {  	_ =	sfence.sel $0x180000  }
0xec: {  	[bflag:$0x0] =	sbarrier.arrive $0xFFFF  }
0xed: {  	p0 =	sne.s32 s4, $0x0;
	_ =	strace $0x9000004A  }
0xee: {  	s0 =	sadd.s32 @!p0 $0x100000, s0;
	[bflag:$0x2] =	sbarrier.arrive $0xFFFF  }
0xef: {  	[sflag:s0] =	ssyncadd.tile.s32 @!p0 $0x1;
	_ =	shalt  }
.Lfunc_end2:
_tile_overlayer_lowered:
.L_overlay_start_2:
0xf0: {  	(tag) =	ssettag $0x2  }
0xf1: {  	s0 =	rddreg [dreg:$0x0];
	s2 =	stileid.u32  }
0xf2: {  	s1 =	rddreg [dreg:$0x1];
	p0 =	sne.s32 s2, $0x0  }
0xf3: {  	s3 =	rddreg [dreg:$0x2];
	[bflag:$0x3] =	sbarrier.arrive $0xFFFF;
	s2 =	simm.s32 @!p0 $0x1C03  }
0xf4: {  	[timem:s3], [sflag:s2] =	dma.local @!p0 [hbm:s0], s1  }
0xf5: {  	s0 =	simm.s32 @!p0 $0x3  }
0xf6: {  	_ =	swait.ge @!p0 [sflag:s0], s1  }
0xf7: {  	s1 =	ssub.s32 @!p0 $0x0, s1;
	[sflag:s0] =	ssyncset.done @!p0 $0x0  }
0xf8: {  	[sflag:s0] =	ssyncadd.s32 @!p0 s1  }
0xf9: {  	[bflag:$0x3] =	sbarrier.arrive $0xFFFF  }
0xfa: {  	_ =	shalt  }

</sc_bundles>
